<compile_context>
chip_gen: v7x
topology: tpu7x:2x2x1
jax: 0.10.2.dev20260603
libtpu: 0.0.44.dev20260713+nightly
codegen_flags: <defaults>
</compile_context>

<pallas_src>
import functools

import numpy as np
import jax
import jax.numpy as jnp
from jax import lax
from jax.experimental import pallas as pl
from jax.experimental.pallas import tpu as pltpu
from jax.experimental.pallas import tpu_sc as plsc

VOCAB = 100000
DIM = 1024
HALF = DIM // 2
BATCH = 4
SEQ = 2048
B = BATCH * SEQ

NC, NS = 2, 16
NW = NC * NS
CH = 16
MAXBUF = 6

SLICES = [(0, 1024), (1024, 512), (1536, 512)]

_sc_mesh = plsc.VectorSubcoreMesh(core_axis_name="c", subcore_axis_name="s")


def _gather_loop(table_hbm, idx_v, out_hbm, bufs, gsems, wsems, base, nch, nbuf):
    gs = [None] * nch
    ws = [None] * nch
    for j in range(min(nbuf, nch)):
        gs[j] = pltpu.async_copy(
            table_hbm.at[idx_v.at[pl.ds(j * CH, CH)]], bufs[j], gsems[j]
        )
    for j in range(nch):
        b = j % nbuf
        gs[j].wait()
        ws[j] = pltpu.async_copy(
            bufs[b], out_hbm.at[pl.ds(base + j * CH, CH)], wsems[b]
        )
        nxt = j + nbuf
        if nxt < nch:
            ws[j].wait()
            gs[nxt] = pltpu.async_copy(
                table_hbm.at[idx_v.at[pl.ds(nxt * CH, CH)]], bufs[b], gsems[b]
            )
    for j in range(max(0, nch - nbuf), nch):
        ws[j].wait()


def _make_sc_gather(pos_off, pos_len):
    rows = BATCH * pos_len
    bpw = rows // NW
    nch = bpw // CH
    nbuf = min(nch, MAXBUF)
    direct = bpw % 128 == 0
    wpb = pos_len // bpw

    scratch = [
        pltpu.VMEM((bpw,), jnp.int32) if direct
        else pltpu.VMEM((nch, CH), jnp.int32),
        [pltpu.VMEM((CH, DIM), jnp.float32) for _ in range(nbuf)],
        [pltpu.SemaphoreType.DMA for _ in range(nbuf)],
        [pltpu.SemaphoreType.DMA for _ in range(nbuf)],
    ]

    if direct:

        @functools.partial(
            pl.kernel,
            mesh=_sc_mesh,
            out_type=jax.ShapeDtypeStruct((rows, DIM), jnp.float32),
            scratch_types=scratch,
        )
        def _sc_gather(table_hbm, x_hbm, out_hbm, idx_v, bufs, gsems, wsems):
            wid = lax.axis_index("s") * NC + lax.axis_index("c")
            brow = wid // wpb
            col0 = (wid % wpb) * bpw + pos_off
            pltpu.sync_copy(x_hbm.at[brow, pl.ds(col0, bpw)], idx_v)
            _gather_loop(table_hbm, idx_v, out_hbm, bufs, gsems, wsems,
                         wid * bpw, nch, nbuf)

        return lambda W, x: _sc_gather(W, x)

    @functools.partial(
        pl.kernel,
        mesh=_sc_mesh,
        out_type=jax.ShapeDtypeStruct((rows, DIM), jnp.float32),
        scratch_types=scratch,
    )
    def _sc_gather_op(table_hbm, idx_hbm, out_hbm, idx_v, bufs, gsems, wsems):
        wid = lax.axis_index("s") * NC + lax.axis_index("c")
        pltpu.sync_copy(idx_hbm.at[wid], idx_v)
        _gather_loop_2d(table_hbm, idx_v, out_hbm, bufs, gsems, wsems,
                        wid * bpw, nch, nbuf)

    def _call(W, x):
        idx = x[:, pos_off : pos_off + pos_len].reshape(NW, nch, CH)
        return _sc_gather_op(W, idx)

    return _call


def _gather_loop_2d(table_hbm, idx_v, out_hbm, bufs, gsems, wsems, base, nch, nbuf):
    gs = [None] * nch
    ws = [None] * nch
    for j in range(min(nbuf, nch)):
        gs[j] = pltpu.async_copy(table_hbm.at[idx_v.at[j]], bufs[j], gsems[j])
    for j in range(nch):
        b = j % nbuf
        gs[j].wait()
        ws[j] = pltpu.async_copy(
            bufs[b], out_hbm.at[pl.ds(base + j * CH, CH)], wsems[b]
        )
        nxt = j + nbuf
        if nxt < nch:
            ws[j].wait()
            gs[nxt] = pltpu.async_copy(
                table_hbm.at[idx_v.at[nxt]], bufs[b], gsems[b]
            )
    for j in range(max(0, nch - nbuf), nch):
        ws[j].wait()


_SC_GATHER = [_make_sc_gather(o, p) for o, p in SLICES]


def _rope_tables():
    fi = np.arange(HALF, dtype=np.float32)
    freqs = (1.0 / (10000.0 ** (fi / DIM))).astype(np.float32)
    pos = np.arange(SEQ, dtype=np.float32)
    angles = pos[:, None] * freqs[None, :]
    return np.sin(angles), np.cos(angles)


_SIN_NP, _COS_NP = _rope_tables()


def _rope_first_body(e_ref, s_ref, c_ref, o_ref):
    xe = e_ref[:, :HALF]
    xo = e_ref[:, HALF:]
    s = s_ref[...].astype(jnp.float32)
    c = c_ref[...].astype(jnp.float32)
    o_ref[:, :HALF] = xe * c - xo * s
    o_ref[:, HALF:] = xe * s + xo * c


def _rope_chain_body(e_ref, s_ref, c_ref, prev_ref, o_ref):
    del prev_ref
    _rope_first_body(e_ref, s_ref, c_ref, o_ref)


def _make_rope(slice_idx):
    pos_off, pos_len = SLICES[slice_idx]
    tb = pos_off // pos_len
    ob = SEQ // pos_len
    in_specs = [
        pl.BlockSpec((pos_len, DIM), lambda b: (b, 0)),
        pl.BlockSpec((pos_len, HALF), lambda b, t=tb: (t, 0)),
        pl.BlockSpec((pos_len, HALF), lambda b, t=tb: (t, 0)),
    ]
    body = _rope_first_body
    aliases = {}
    if slice_idx > 0:
        in_specs.append(pl.BlockSpec(memory_space=pl.MemorySpace.ANY))
        body = _rope_chain_body
        aliases = {3: 0}
    return pl.pallas_call(
        body,
        grid=(BATCH,),
        in_specs=in_specs,
        out_specs=pl.BlockSpec(
            (pos_len, DIM), lambda b, t=tb, n=ob: (b * n + t, 0)
        ),
        out_shape=jax.ShapeDtypeStruct((B, DIM), jnp.float32),
        input_output_aliases=aliases,
        name=f"rope_slice_{slice_idx}",
    )


_ROPE = [_make_rope(s) for s in range(len(SLICES))]


def kernel(x, W):
    sin_t = jnp.asarray(_SIN_NP, dtype=jnp.bfloat16)
    cos_t = jnp.asarray(_COS_NP, dtype=jnp.bfloat16)
    embs = [g(W, x) for g in _SC_GATHER]
    out = _ROPE[0](embs[0], sin_t, cos_t)
    for s in range(1, len(SLICES)):
        out = _ROPE[s](embs[s], sin_t, cos_t, out)
    return out.reshape(BATCH, SEQ, DIM)

# --- scband reference (transcript-rebuilt; emitter-appended) ---
"""Pipeline reference for scband-ko-rkut-embedding-75651553952265 (READ-ONLY COPY).

The authoritative reference and input builder live on the scoring server;
editing this copy changes nothing except your own understanding.
"""

import jax, jax.numpy as jnp
import numpy as np

VOCAB = 100000
DIM = 1024
BATCH = 4
SEQ = 2048


def _rope(x, base=10000):
    b, L, d = x.shape
    half = d // 2
    fi = jnp.arange(half, dtype=jnp.float32)
    freqs = 1.0 / (base ** (fi / d))
    pos = jnp.arange(L, dtype=jnp.float32)[:, None]
    angles = pos * freqs
    s = jnp.sin(angles)
    c = jnp.cos(angles)
    xe = x[:, :, :half]
    xo = x[:, :, half:]
    xe_rot = xe * c - xo * s
    xo_rot = xe * s + xo * c
    return jnp.concatenate([xe_rot, xo_rot], axis=-1)


def setup_inputs(seed: int = 0) -> dict:
    key = jax.random.key(seed)
    k1, k2 = jax.random.split(key)
    x = jax.random.randint(k1, (BATCH, SEQ), 0, VOCAB, dtype=jnp.int32)
    W = jax.random.normal(k2, (VOCAB, DIM), dtype=jnp.float32)
    return {"x": x, "W": W}


def reference(x, W):
    emb = jnp.take(W, x, axis=0)
    return _rope(emb)

if __name__ == "__main__":
    import jax
    _d = setup_inputs()
    print(jax.jit(kernel)(*tuple(_d.values())))

</pallas_src>

<mosaic_0001>
#map = affine_map<(d0, d1) -> (0, 0)>
#map1 = affine_map<(d0, d1) -> (0, 0, 0)>
module attributes {stable_mosaic.version = 14 : i64} {
  func.func @_sc_gather_op(%arg0: i32, %arg1: i32, %arg2: memref<100000x1024xf32, #tpu.memory_space<hbm>>, %arg3: memref<32x4x16xi32, #tpu.memory_space<hbm>>, %arg4: memref<2048x1024xf32, #tpu.memory_space<hbm>>, %arg5: memref<4x16xi32, #tpu.memory_space<vmem>>, %arg6: memref<16x1024xf32, #tpu.memory_space<vmem>>, %arg7: memref<16x1024xf32, #tpu.memory_space<vmem>>, %arg8: memref<16x1024xf32, #tpu.memory_space<vmem>>, %arg9: memref<16x1024xf32, #tpu.memory_space<vmem>>, %arg10: memref<!tpu.dma_semaphore, #tpu.memory_space<semaphore_mem>>, %arg11: memref<!tpu.dma_semaphore, #tpu.memory_space<semaphore_mem>>, %arg12: memref<!tpu.dma_semaphore, #tpu.memory_space<semaphore_mem>>, %arg13: memref<!tpu.dma_semaphore, #tpu.memory_space<semaphore_mem>>, %arg14: memref<!tpu.dma_semaphore, #tpu.memory_space<semaphore_mem>>, %arg15: memref<!tpu.dma_semaphore, #tpu.memory_space<semaphore_mem>>, %arg16: memref<!tpu.dma_semaphore, #tpu.memory_space<semaphore_mem>>, %arg17: memref<!tpu.dma_semaphore, #tpu.memory_space<semaphore_mem>>) attributes {dimension_semantics = [#tpu.dimension_semantics<core_parallel>, #tpu.dimension_semantics<subcore_parallel>], iteration_bounds = array<i64: 2, 16>, scalar_prefetch = 0 : i64, scratch_operands = 13 : i64, tpu.core_type = #tpu.core_type<sc_vector_subcore>, window_params = [{transform_indices = #map}, {transform_indices = #map1}, {transform_indices = #map}]} {
    %mul3A = arith.constant 2 : i32
    %mul3A_0 = arith.muli %arg1, %mul3A : i32
    %add3A = arith.addi %mul3A_0, %arg0 : i32
    "tpu.region"() ({
      %run_scoped3A = tpu.sem_alloc : memref<!tpu.dma_semaphore, #tpu.memory_space<semaphore_mem>>
      %dma_start3A_97 = arith.constant 0 : i32
      %dma_start3A_98 = arith.constant 0 : i32
      %dma_start3A_99 = tpu.memref_slice %arg3[%add3A, %dma_start3A_97, %dma_start3A_98] : memref<32x4x16xi32, #tpu.memory_space<hbm>> -> memref<1x4x16xi32, #tpu.memory_space<hbm>>
      %dma_start3A_100 = tpu.memref_squeeze %dma_start3A_99 : memref<1x4x16xi32, #tpu.memory_space<hbm>> -> memref<4x16xi32, #tpu.memory_space<hbm>>
      %dma_start3A_101 = arith.constant 0 : i32
      %dma_start3A_102 = arith.constant 0 : i32
      %dma_start3A_103 = tpu.memref_slice %arg3[%add3A, %dma_start3A_101, %dma_start3A_102] : memref<32x4x16xi32, #tpu.memory_space<hbm>> -> memref<1x4x16xi32, #tpu.memory_space<hbm>>
      %dma_start3A_104 = tpu.memref_squeeze %dma_start3A_103 : memref<1x4x16xi32, #tpu.memory_space<hbm>> -> memref<4x16xi32, #tpu.memory_space<hbm>>
      tpu.enqueue_dma source(%dma_start3A_104 : memref<4x16xi32, #tpu.memory_space<hbm>>) target(%arg5 : memref<4x16xi32, #tpu.memory_space<vmem>>) target_semaphore(%run_scoped3A : memref<!tpu.dma_semaphore, #tpu.memory_space<semaphore_mem>>)
      %dma_wait3A_105 = arith.constant 0 : i32
      %dma_wait3A_106 = arith.constant 0 : i32
      %dma_wait3A_107 = tpu.memref_slice %arg3[%add3A, %dma_wait3A_105, %dma_wait3A_106] : memref<32x4x16xi32, #tpu.memory_space<hbm>> -> memref<1x4x16xi32, #tpu.memory_space<hbm>>
      %dma_wait3A_108 = tpu.memref_squeeze %dma_wait3A_107 : memref<1x4x16xi32, #tpu.memory_space<hbm>> -> memref<4x16xi32, #tpu.memory_space<hbm>>
      %dma_wait3A_109 = arith.constant 0 : i32
      %dma_wait3A_110 = arith.constant 0 : i32
      %dma_wait3A_111 = tpu.memref_slice %arg3[%add3A, %dma_wait3A_109, %dma_wait3A_110] : memref<32x4x16xi32, #tpu.memory_space<hbm>> -> memref<1x4x16xi32, #tpu.memory_space<hbm>>
      %dma_wait3A_112 = tpu.memref_squeeze %dma_wait3A_111 : memref<1x4x16xi32, #tpu.memory_space<hbm>> -> memref<4x16xi32, #tpu.memory_space<hbm>>
      tpu.wait_dma2 semaphore(%run_scoped3A : memref<!tpu.dma_semaphore, #tpu.memory_space<semaphore_mem>>) src(%dma_wait3A_112 : memref<4x16xi32, #tpu.memory_space<hbm>>) dst(%arg5 : memref<4x16xi32, #tpu.memory_space<vmem>>)
      tpu.yield
    }) : () -> ()
    %mul3A_1 = arith.constant 64 : i32
    %mul3A_2 = arith.muli %add3A, %mul3A_1 : i32
    %dma_start3A = arith.constant 0 : i32
    %dma_start3A_3 = arith.constant 0 : i32
    %dma_start3A_4 = tpu.memref_slice %arg5[%dma_start3A, %dma_start3A_3] : memref<4x16xi32, #tpu.memory_space<vmem>> -> memref<1x16xi32, #tpu.memory_space<vmem>>
    %dma_start3A_5 = tpu.memref_squeeze %dma_start3A_4 : memref<1x16xi32, #tpu.memory_space<vmem>> -> memref<16xi32, #tpu.memory_space<vmem>>
    %dma_start3A_6 = arith.constant 0 : i32
    %dma_start3A_7 = arith.constant 0 : i32
    %dma_start3A_8 = tpu.memref_slice %arg2[%dma_start3A_6, %dma_start3A_7] : memref<100000x1024xf32, #tpu.memory_space<hbm>> -> memref<100000x1024xf32, #tpu.memory_space<hbm>>
    tpu.enqueue_indirect_dma source(%dma_start3A_8 : memref<100000x1024xf32, #tpu.memory_space<hbm>>) target(%arg6 : memref<16x1024xf32, #tpu.memory_space<vmem>>) offsets(%dma_start3A_5 : memref<16xi32, #tpu.memory_space<vmem>>) semaphore(%arg10 : memref<!tpu.dma_semaphore, #tpu.memory_space<semaphore_mem>>)
    %dma_start3A_9 = arith.constant 1 : i32
    %dma_start3A_10 = arith.constant 0 : i32
    %dma_start3A_11 = tpu.memref_slice %arg5[%dma_start3A_9, %dma_start3A_10] : memref<4x16xi32, #tpu.memory_space<vmem>> -> memref<1x16xi32, #tpu.memory_space<vmem>>
    %dma_start3A_12 = tpu.memref_squeeze %dma_start3A_11 : memref<1x16xi32, #tpu.memory_space<vmem>> -> memref<16xi32, #tpu.memory_space<vmem>>
    %dma_start3A_13 = arith.constant 0 : i32
    %dma_start3A_14 = arith.constant 0 : i32
    %dma_start3A_15 = tpu.memref_slice %arg2[%dma_start3A_13, %dma_start3A_14] : memref<100000x1024xf32, #tpu.memory_space<hbm>> -> memref<100000x1024xf32, #tpu.memory_space<hbm>>
    tpu.enqueue_indirect_dma source(%dma_start3A_15 : memref<100000x1024xf32, #tpu.memory_space<hbm>>) target(%arg7 : memref<16x1024xf32, #tpu.memory_space<vmem>>) offsets(%dma_start3A_12 : memref<16xi32, #tpu.memory_space<vmem>>) semaphore(%arg11 : memref<!tpu.dma_semaphore, #tpu.memory_space<semaphore_mem>>)
    %dma_start3A_16 = arith.constant 2 : i32
    %dma_start3A_17 = arith.constant 0 : i32
    %dma_start3A_18 = tpu.memref_slice %arg5[%dma_start3A_16, %dma_start3A_17] : memref<4x16xi32, #tpu.memory_space<vmem>> -> memref<1x16xi32, #tpu.memory_space<vmem>>
    %dma_start3A_19 = tpu.memref_squeeze %dma_start3A_18 : memref<1x16xi32, #tpu.memory_space<vmem>> -> memref<16xi32, #tpu.memory_space<vmem>>
    %dma_start3A_20 = arith.constant 0 : i32
    %dma_start3A_21 = arith.constant 0 : i32
    %dma_start3A_22 = tpu.memref_slice %arg2[%dma_start3A_20, %dma_start3A_21] : memref<100000x1024xf32, #tpu.memory_space<hbm>> -> memref<100000x1024xf32, #tpu.memory_space<hbm>>
    tpu.enqueue_indirect_dma source(%dma_start3A_22 : memref<100000x1024xf32, #tpu.memory_space<hbm>>) target(%arg8 : memref<16x1024xf32, #tpu.memory_space<vmem>>) offsets(%dma_start3A_19 : memref<16xi32, #tpu.memory_space<vmem>>) semaphore(%arg12 : memref<!tpu.dma_semaphore, #tpu.memory_space<semaphore_mem>>)
    %dma_start3A_23 = arith.constant 3 : i32
    %dma_start3A_24 = arith.constant 0 : i32
    %dma_start3A_25 = tpu.memref_slice %arg5[%dma_start3A_23, %dma_start3A_24] : memref<4x16xi32, #tpu.memory_space<vmem>> -> memref<1x16xi32, #tpu.memory_space<vmem>>
    %dma_start3A_26 = tpu.memref_squeeze %dma_start3A_25 : memref<1x16xi32, #tpu.memory_space<vmem>> -> memref<16xi32, #tpu.memory_space<vmem>>
    %dma_start3A_27 = arith.constant 0 : i32
    %dma_start3A_28 = arith.constant 0 : i32
    %dma_start3A_29 = tpu.memref_slice %arg2[%dma_start3A_27, %dma_start3A_28] : memref<100000x1024xf32, #tpu.memory_space<hbm>> -> memref<100000x1024xf32, #tpu.memory_space<hbm>>
    tpu.enqueue_indirect_dma source(%dma_start3A_29 : memref<100000x1024xf32, #tpu.memory_space<hbm>>) target(%arg9 : memref<16x1024xf32, #tpu.memory_space<vmem>>) offsets(%dma_start3A_26 : memref<16xi32, #tpu.memory_space<vmem>>) semaphore(%arg13 : memref<!tpu.dma_semaphore, #tpu.memory_space<semaphore_mem>>)
    %dma_wait3A = arith.constant 0 : i32
    %dma_wait3A_30 = arith.constant 0 : i32
    %dma_wait3A_31 = tpu.memref_slice %arg5[%dma_wait3A, %dma_wait3A_30] : memref<4x16xi32, #tpu.memory_space<vmem>> -> memref<1x16xi32, #tpu.memory_space<vmem>>
    %dma_wait3A_32 = tpu.memref_squeeze %dma_wait3A_31 : memref<1x16xi32, #tpu.memory_space<vmem>> -> memref<16xi32, #tpu.memory_space<vmem>>
    %dma_wait3A_33 = arith.constant 0 : i32
    %dma_wait3A_34 = arith.constant 0 : i32
    %dma_wait3A_35 = tpu.memref_slice %arg2[%dma_wait3A_33, %dma_wait3A_34] : memref<100000x1024xf32, #tpu.memory_space<hbm>> -> memref<100000x1024xf32, #tpu.memory_space<hbm>>
    tpu.wait_indirect_dma semaphore(%arg10 : memref<!tpu.dma_semaphore, #tpu.memory_space<semaphore_mem>>) src(%dma_wait3A_35 : memref<100000x1024xf32, #tpu.memory_space<hbm>>) dst(%arg6 : memref<16x1024xf32, #tpu.memory_space<vmem>>)
    %add3A_36 = arith.constant 0 : i32
    %add3A_37 = arith.addi %mul3A_2, %add3A_36 : i32
    %dma_start3A_38 = arith.constant 0 : i32
    %dma_start3A_39 = tpu.memref_slice %arg4[%add3A_37, %dma_start3A_38] : memref<2048x1024xf32, #tpu.memory_space<hbm>> -> memref<16x1024xf32, #tpu.memory_space<hbm>>
    %dma_start3A_40 = arith.constant 0 : i32
    %dma_start3A_41 = tpu.memref_slice %arg4[%add3A_37, %dma_start3A_40] : memref<2048x1024xf32, #tpu.memory_space<hbm>> -> memref<16x1024xf32, #tpu.memory_space<hbm>>
    tpu.enqueue_dma source(%arg6 : memref<16x1024xf32, #tpu.memory_space<vmem>>) target(%dma_start3A_41 : memref<16x1024xf32, #tpu.memory_space<hbm>>) target_semaphore(%arg14 : memref<!tpu.dma_semaphore, #tpu.memory_space<semaphore_mem>>)
    %dma_wait3A_42 = arith.constant 1 : i32
    %dma_wait3A_43 = arith.constant 0 : i32
    %dma_wait3A_44 = tpu.memref_slice %arg5[%dma_wait3A_42, %dma_wait3A_43] : memref<4x16xi32, #tpu.memory_space<vmem>> -> memref<1x16xi32, #tpu.memory_space<vmem>>
    %dma_wait3A_45 = tpu.memref_squeeze %dma_wait3A_44 : memref<1x16xi32, #tpu.memory_space<vmem>> -> memref<16xi32, #tpu.memory_space<vmem>>
    %dma_wait3A_46 = arith.constant 0 : i32
    %dma_wait3A_47 = arith.constant 0 : i32
    %dma_wait3A_48 = tpu.memref_slice %arg2[%dma_wait3A_46, %dma_wait3A_47] : memref<100000x1024xf32, #tpu.memory_space<hbm>> -> memref<100000x1024xf32, #tpu.memory_space<hbm>>
    tpu.wait_indirect_dma semaphore(%arg11 : memref<!tpu.dma_semaphore, #tpu.memory_space<semaphore_mem>>) src(%dma_wait3A_48 : memref<100000x1024xf32, #tpu.memory_space<hbm>>) dst(%arg7 : memref<16x1024xf32, #tpu.memory_space<vmem>>)
    %add3A_49 = arith.constant 16 : i32
    %add3A_50 = arith.addi %mul3A_2, %add3A_49 : i32
    %dma_start3A_51 = arith.constant 0 : i32
    %dma_start3A_52 = tpu.memref_slice %arg4[%add3A_50, %dma_start3A_51] : memref<2048x1024xf32, #tpu.memory_space<hbm>> -> memref<16x1024xf32, #tpu.memory_space<hbm>>
    %dma_start3A_53 = arith.constant 0 : i32
    %dma_start3A_54 = tpu.memref_slice %arg4[%add3A_50, %dma_start3A_53] : memref<2048x1024xf32, #tpu.memory_space<hbm>> -> memref<16x1024xf32, #tpu.memory_space<hbm>>
    tpu.enqueue_dma source(%arg7 : memref<16x1024xf32, #tpu.memory_space<vmem>>) target(%dma_start3A_54 : memref<16x1024xf32, #tpu.memory_space<hbm>>) target_semaphore(%arg15 : memref<!tpu.dma_semaphore, #tpu.memory_space<semaphore_mem>>)
    %dma_wait3A_55 = arith.constant 2 : i32
    %dma_wait3A_56 = arith.constant 0 : i32
    %dma_wait3A_57 = tpu.memref_slice %arg5[%dma_wait3A_55, %dma_wait3A_56] : memref<4x16xi32, #tpu.memory_space<vmem>> -> memref<1x16xi32, #tpu.memory_space<vmem>>
    %dma_wait3A_58 = tpu.memref_squeeze %dma_wait3A_57 : memref<1x16xi32, #tpu.memory_space<vmem>> -> memref<16xi32, #tpu.memory_space<vmem>>
    %dma_wait3A_59 = arith.constant 0 : i32
    %dma_wait3A_60 = arith.constant 0 : i32
    %dma_wait3A_61 = tpu.memref_slice %arg2[%dma_wait3A_59, %dma_wait3A_60] : memref<100000x1024xf32, #tpu.memory_space<hbm>> -> memref<100000x1024xf32, #tpu.memory_space<hbm>>
    tpu.wait_indirect_dma semaphore(%arg12 : memref<!tpu.dma_semaphore, #tpu.memory_space<semaphore_mem>>) src(%dma_wait3A_61 : memref<100000x1024xf32, #tpu.memory_space<hbm>>) dst(%arg8 : memref<16x1024xf32, #tpu.memory_space<vmem>>)
    %add3A_62 = arith.constant 32 : i32
    %add3A_63 = arith.addi %mul3A_2, %add3A_62 : i32
    %dma_start3A_64 = arith.constant 0 : i32
    %dma_start3A_65 = tpu.memref_slice %arg4[%add3A_63, %dma_start3A_64] : memref<2048x1024xf32, #tpu.memory_space<hbm>> -> memref<16x1024xf32, #tpu.memory_space<hbm>>
    %dma_start3A_66 = arith.constant 0 : i32
    %dma_start3A_67 = tpu.memref_slice %arg4[%add3A_63, %dma_start3A_66] : memref<2048x1024xf32, #tpu.memory_space<hbm>> -> memref<16x1024xf32, #tpu.memory_space<hbm>>
    tpu.enqueue_dma source(%arg8 : memref<16x1024xf32, #tpu.memory_space<vmem>>) target(%dma_start3A_67 : memref<16x1024xf32, #tpu.memory_space<hbm>>) target_semaphore(%arg16 : memref<!tpu.dma_semaphore, #tpu.memory_space<semaphore_mem>>)
    %dma_wait3A_68 = arith.constant 3 : i32
    %dma_wait3A_69 = arith.constant 0 : i32
    %dma_wait3A_70 = tpu.memref_slice %arg5[%dma_wait3A_68, %dma_wait3A_69] : memref<4x16xi32, #tpu.memory_space<vmem>> -> memref<1x16xi32, #tpu.memory_space<vmem>>
    %dma_wait3A_71 = tpu.memref_squeeze %dma_wait3A_70 : memref<1x16xi32, #tpu.memory_space<vmem>> -> memref<16xi32, #tpu.memory_space<vmem>>
    %dma_wait3A_72 = arith.constant 0 : i32
    %dma_wait3A_73 = arith.constant 0 : i32
    %dma_wait3A_74 = tpu.memref_slice %arg2[%dma_wait3A_72, %dma_wait3A_73] : memref<100000x1024xf32, #tpu.memory_space<hbm>> -> memref<100000x1024xf32, #tpu.memory_space<hbm>>
    tpu.wait_indirect_dma semaphore(%arg13 : memref<!tpu.dma_semaphore, #tpu.memory_space<semaphore_mem>>) src(%dma_wait3A_74 : memref<100000x1024xf32, #tpu.memory_space<hbm>>) dst(%arg9 : memref<16x1024xf32, #tpu.memory_space<vmem>>)
    %add3A_75 = arith.constant 48 : i32
    %add3A_76 = arith.addi %mul3A_2, %add3A_75 : i32
    %dma_start3A_77 = arith.constant 0 : i32
    %dma_start3A_78 = tpu.memref_slice %arg4[%add3A_76, %dma_start3A_77] : memref<2048x1024xf32, #tpu.memory_space<hbm>> -> memref<16x1024xf32, #tpu.memory_space<hbm>>
    %dma_start3A_79 = arith.constant 0 : i32
    %dma_start3A_80 = tpu.memref_slice %arg4[%add3A_76, %dma_start3A_79] : memref<2048x1024xf32, #tpu.memory_space<hbm>> -> memref<16x1024xf32, #tpu.memory_space<hbm>>
    tpu.enqueue_dma source(%arg9 : memref<16x1024xf32, #tpu.memory_space<vmem>>) target(%dma_start3A_80 : memref<16x1024xf32, #tpu.memory_space<hbm>>) target_semaphore(%arg17 : memref<!tpu.dma_semaphore, #tpu.memory_space<semaphore_mem>>)
    %dma_wait3A_81 = arith.constant 0 : i32
    %dma_wait3A_82 = tpu.memref_slice %arg4[%add3A_37, %dma_wait3A_81] : memref<2048x1024xf32, #tpu.memory_space<hbm>> -> memref<16x1024xf32, #tpu.memory_space<hbm>>
    %dma_wait3A_83 = arith.constant 0 : i32
    %dma_wait3A_84 = tpu.memref_slice %arg4[%add3A_37, %dma_wait3A_83] : memref<2048x1024xf32, #tpu.memory_space<hbm>> -> memref<16x1024xf32, #tpu.memory_space<hbm>>
    tpu.wait_dma2 semaphore(%arg14 : memref<!tpu.dma_semaphore, #tpu.memory_space<semaphore_mem>>) src(%arg6 : memref<16x1024xf32, #tpu.memory_space<vmem>>) dst(%dma_wait3A_84 : memref<16x1024xf32, #tpu.memory_space<hbm>>)
    %dma_wait3A_85 = arith.constant 0 : i32
    %dma_wait3A_86 = tpu.memref_slice %arg4[%add3A_50, %dma_wait3A_85] : memref<2048x1024xf32, #tpu.memory_space<hbm>> -> memref<16x1024xf32, #tpu.memory_space<hbm>>
    %dma_wait3A_87 = arith.constant 0 : i32
    %dma_wait3A_88 = tpu.memref_slice %arg4[%add3A_50, %dma_wait3A_87] : memref<2048x1024xf32, #tpu.memory_space<hbm>> -> memref<16x1024xf32, #tpu.memory_space<hbm>>
    tpu.wait_dma2 semaphore(%arg15 : memref<!tpu.dma_semaphore, #tpu.memory_space<semaphore_mem>>) src(%arg7 : memref<16x1024xf32, #tpu.memory_space<vmem>>) dst(%dma_wait3A_88 : memref<16x1024xf32, #tpu.memory_space<hbm>>)
    %dma_wait3A_89 = arith.constant 0 : i32
    %dma_wait3A_90 = tpu.memref_slice %arg4[%add3A_63, %dma_wait3A_89] : memref<2048x1024xf32, #tpu.memory_space<hbm>> -> memref<16x1024xf32, #tpu.memory_space<hbm>>
    %dma_wait3A_91 = arith.constant 0 : i32
    %dma_wait3A_92 = tpu.memref_slice %arg4[%add3A_63, %dma_wait3A_91] : memref<2048x1024xf32, #tpu.memory_space<hbm>> -> memref<16x1024xf32, #tpu.memory_space<hbm>>
    tpu.wait_dma2 semaphore(%arg16 : memref<!tpu.dma_semaphore, #tpu.memory_space<semaphore_mem>>) src(%arg8 : memref<16x1024xf32, #tpu.memory_space<vmem>>) dst(%dma_wait3A_92 : memref<16x1024xf32, #tpu.memory_space<hbm>>)
    %dma_wait3A_93 = arith.constant 0 : i32
    %dma_wait3A_94 = tpu.memref_slice %arg4[%add3A_76, %dma_wait3A_93] : memref<2048x1024xf32, #tpu.memory_space<hbm>> -> memref<16x1024xf32, #tpu.memory_space<hbm>>
    %dma_wait3A_95 = arith.constant 0 : i32
    %dma_wait3A_96 = tpu.memref_slice %arg4[%add3A_76, %dma_wait3A_95] : memref<2048x1024xf32, #tpu.memory_space<hbm>> -> memref<16x1024xf32, #tpu.memory_space<hbm>>
    tpu.wait_dma2 semaphore(%arg17 : memref<!tpu.dma_semaphore, #tpu.memory_space<semaphore_mem>>) src(%arg9 : memref<16x1024xf32, #tpu.memory_space<vmem>>) dst(%dma_wait3A_96 : memref<16x1024xf32, #tpu.memory_space<hbm>>)
    return
  }
}

#map = affine_map<(d0, d1) -> (0, 0)>
#map1 = affine_map<(d0, d1) -> (0, 0, 0)>
module attributes {stable_mosaic.version = 14 : i64} {
  func.func @_sc_gather_op(%arg0: i32, %arg1: i32, %arg2: memref<100000x1024xf32, #tpu.memory_space<hbm>>, %arg3: memref<32x4x16xi32, #tpu.memory_space<hbm>>, %arg4: memref<2048x1024xf32, #tpu.memory_space<hbm>>, %arg5: memref<4x16xi32, #tpu.memory_space<vmem>>, %arg6: memref<16x1024xf32, #tpu.memory_space<vmem>>, %arg7: memref<16x1024xf32, #tpu.memory_space<vmem>>, %arg8: memref<16x1024xf32, #tpu.memory_space<vmem>>, %arg9: memref<16x1024xf32, #tpu.memory_space<vmem>>, %arg10: memref<!tpu.dma_semaphore, #tpu.memory_space<semaphore_mem>>, %arg11: memref<!tpu.dma_semaphore, #tpu.memory_space<semaphore_mem>>, %arg12: memref<!tpu.dma_semaphore, #tpu.memory_space<semaphore_mem>>, %arg13: memref<!tpu.dma_semaphore, #tpu.memory_space<semaphore_mem>>, %arg14: memref<!tpu.dma_semaphore, #tpu.memory_space<semaphore_mem>>, %arg15: memref<!tpu.dma_semaphore, #tpu.memory_space<semaphore_mem>>, %arg16: memref<!tpu.dma_semaphore, #tpu.memory_space<semaphore_mem>>, %arg17: memref<!tpu.dma_semaphore, #tpu.memory_space<semaphore_mem>>) attributes {dimension_semantics = [#tpu.dimension_semantics<core_parallel>, #tpu.dimension_semantics<subcore_parallel>], iteration_bounds = array<i64: 2, 16>, scalar_prefetch = 0 : i64, scratch_operands = 13 : i64, tpu.core_type = #tpu.core_type<sc_vector_subcore>, window_params = [{transform_indices = #map}, {transform_indices = #map1}, {transform_indices = #map}]} {
    %mul3A = arith.constant 2 : i32
    %mul3A_0 = arith.muli %arg1, %mul3A : i32
    %add3A = arith.addi %mul3A_0, %arg0 : i32
    "tpu.region"() ({
      %run_scoped3A = tpu.sem_alloc : memref<!tpu.dma_semaphore, #tpu.memory_space<semaphore_mem>>
      %dma_start3A_97 = arith.constant 0 : i32
      %dma_start3A_98 = arith.constant 0 : i32
      %dma_start3A_99 = tpu.memref_slice %arg3[%add3A, %dma_start3A_97, %dma_start3A_98] : memref<32x4x16xi32, #tpu.memory_space<hbm>> -> memref<1x4x16xi32, #tpu.memory_space<hbm>>
      %dma_start3A_100 = tpu.memref_squeeze %dma_start3A_99 : memref<1x4x16xi32, #tpu.memory_space<hbm>> -> memref<4x16xi32, #tpu.memory_space<hbm>>
      %dma_start3A_101 = arith.constant 0 : i32
      %dma_start3A_102 = arith.constant 0 : i32
      %dma_start3A_103 = tpu.memref_slice %arg3[%add3A, %dma_start3A_101, %dma_start3A_102] : memref<32x4x16xi32, #tpu.memory_space<hbm>> -> memref<1x4x16xi32, #tpu.memory_space<hbm>>
      %dma_start3A_104 = tpu.memref_squeeze %dma_start3A_103 : memref<1x4x16xi32, #tpu.memory_space<hbm>> -> memref<4x16xi32, #tpu.memory_space<hbm>>
      tpu.enqueue_dma source(%dma_start3A_104 : memref<4x16xi32, #tpu.memory_space<hbm>>) target(%arg5 : memref<4x16xi32, #tpu.memory_space<vmem>>) target_semaphore(%run_scoped3A : memref<!tpu.dma_semaphore, #tpu.memory_space<semaphore_mem>>)
      %dma_wait3A_105 = arith.constant 0 : i32
      %dma_wait3A_106 = arith.constant 0 : i32
      %dma_wait3A_107 = tpu.memref_slice %arg3[%add3A, %dma_wait3A_105, %dma_wait3A_106] : memref<32x4x16xi32, #tpu.memory_space<hbm>> -> memref<1x4x16xi32, #tpu.memory_space<hbm>>
      %dma_wait3A_108 = tpu.memref_squeeze %dma_wait3A_107 : memref<1x4x16xi32, #tpu.memory_space<hbm>> -> memref<4x16xi32, #tpu.memory_space<hbm>>
      %dma_wait3A_109 = arith.constant 0 : i32
      %dma_wait3A_110 = arith.constant 0 : i32
      %dma_wait3A_111 = tpu.memref_slice %arg3[%add3A, %dma_wait3A_109, %dma_wait3A_110] : memref<32x4x16xi32, #tpu.memory_space<hbm>> -> memref<1x4x16xi32, #tpu.memory_space<hbm>>
      %dma_wait3A_112 = tpu.memref_squeeze %dma_wait3A_111 : memref<1x4x16xi32, #tpu.memory_space<hbm>> -> memref<4x16xi32, #tpu.memory_space<hbm>>
      tpu.wait_dma2 semaphore(%run_scoped3A : memref<!tpu.dma_semaphore, #tpu.memory_space<semaphore_mem>>) src(%dma_wait3A_112 : memref<4x16xi32, #tpu.memory_space<hbm>>) dst(%arg5 : memref<4x16xi32, #tpu.memory_space<vmem>>)
      tpu.yield
    }) : () -> ()
    %mul3A_1 = arith.constant 64 : i32
    %mul3A_2 = arith.muli %add3A, %mul3A_1 : i32
    %dma_start3A = arith.constant 0 : i32
    %dma_start3A_3 = arith.constant 0 : i32
    %dma_start3A_4 = tpu.memref_slice %arg5[%dma_start3A, %dma_start3A_3] : memref<4x16xi32, #tpu.memory_space<vmem>> -> memref<1x16xi32, #tpu.memory_space<vmem>>
    %dma_start3A_5 = tpu.memref_squeeze %dma_start3A_4 : memref<1x16xi32, #tpu.memory_space<vmem>> -> memref<16xi32, #tpu.memory_space<vmem>>
    %dma_start3A_6 = arith.constant 0 : i32
    %dma_start3A_7 = arith.constant 0 : i32
    %dma_start3A_8 = tpu.memref_slice %arg2[%dma_start3A_6, %dma_start3A_7] : memref<100000x1024xf32, #tpu.memory_space<hbm>> -> memref<100000x1024xf32, #tpu.memory_space<hbm>>
    tpu.enqueue_indirect_dma source(%dma_start3A_8 : memref<100000x1024xf32, #tpu.memory_space<hbm>>) target(%arg6 : memref<16x1024xf32, #tpu.memory_space<vmem>>) offsets(%dma_start3A_5 : memref<16xi32, #tpu.memory_space<vmem>>) semaphore(%arg10 : memref<!tpu.dma_semaphore, #tpu.memory_space<semaphore_mem>>)
    %dma_start3A_9 = arith.constant 1 : i32
    %dma_start3A_10 = arith.constant 0 : i32
    %dma_start3A_11 = tpu.memref_slice %arg5[%dma_start3A_9, %dma_start3A_10] : memref<4x16xi32, #tpu.memory_space<vmem>> -> memref<1x16xi32, #tpu.memory_space<vmem>>
    %dma_start3A_12 = tpu.memref_squeeze %dma_start3A_11 : memref<1x16xi32, #tpu.memory_space<vmem>> -> memref<16xi32, #tpu.memory_space<vmem>>
    %dma_start3A_13 = arith.constant 0 : i32
    %dma_start3A_14 = arith.constant 0 : i32
    %dma_start3A_15 = tpu.memref_slice %arg2[%dma_start3A_13, %dma_start3A_14] : memref<100000x1024xf32, #tpu.memory_space<hbm>> -> memref<100000x1024xf32, #tpu.memory_space<hbm>>
    tpu.enqueue_indirect_dma source(%dma_start3A_15 : memref<100000x1024xf32, #tpu.memory_space<hbm>>) target(%arg7 : memref<16x1024xf32, #tpu.memory_space<vmem>>) offsets(%dma_start3A_12 : memref<16xi32, #tpu.memory_space<vmem>>) semaphore(%arg11 : memref<!tpu.dma_semaphore, #tpu.memory_space<semaphore_mem>>)
    %dma_start3A_16 = arith.constant 2 : i32
    %dma_start3A_17 = arith.constant 0 : i32
    %dma_start3A_18 = tpu.memref_slice %arg5[%dma_start3A_16, %dma_start3A_17] : memref<4x16xi32, #tpu.memory_space<vmem>> -> memref<1x16xi32, #tpu.memory_space<vmem>>
    %dma_start3A_19 = tpu.memref_squeeze %dma_start3A_18 : memref<1x16xi32, #tpu.memory_space<vmem>> -> memref<16xi32, #tpu.memory_space<vmem>>
    %dma_start3A_20 = arith.constant 0 : i32
    %dma_start3A_21 = arith.constant 0 : i32
    %dma_start3A_22 = tpu.memref_slice %arg2[%dma_start3A_20, %dma_start3A_21] : memref<100000x1024xf32, #tpu.memory_space<hbm>> -> memref<100000x1024xf32, #tpu.memory_space<hbm>>
    tpu.enqueue_indirect_dma source(%dma_start3A_22 : memref<100000x1024xf32, #tpu.memory_space<hbm>>) target(%arg8 : memref<16x1024xf32, #tpu.memory_space<vmem>>) offsets(%dma_start3A_19 : memref<16xi32, #tpu.memory_space<vmem>>) semaphore(%arg12 : memref<!tpu.dma_semaphore, #tpu.memory_space<semaphore_mem>>)
    %dma_start3A_23 = arith.constant 3 : i32
    %dma_start3A_24 = arith.constant 0 : i32
    %dma_start3A_25 = tpu.memref_slice %arg5[%dma_start3A_23, %dma_start3A_24] : memref<4x16xi32, #tpu.memory_space<vmem>> -> memref<1x16xi32, #tpu.memory_space<vmem>>
    %dma_start3A_26 = tpu.memref_squeeze %dma_start3A_25 : memref<1x16xi32, #tpu.memory_space<vmem>> -> memref<16xi32, #tpu.memory_space<vmem>>
    %dma_start3A_27 = arith.constant 0 : i32
    %dma_start3A_28 = arith.constant 0 : i32
    %dma_start3A_29 = tpu.memref_slice %arg2[%dma_start3A_27, %dma_start3A_28] : memref<100000x1024xf32, #tpu.memory_space<hbm>> -> memref<100000x1024xf32, #tpu.memory_space<hbm>>
    tpu.enqueue_indirect_dma source(%dma_start3A_29 : memref<100000x1024xf32, #tpu.memory_space<hbm>>) target(%arg9 : memref<16x1024xf32, #tpu.memory_space<vmem>>) offsets(%dma_start3A_26 : memref<16xi32, #tpu.memory_space<vmem>>) semaphore(%arg13 : memref<!tpu.dma_semaphore, #tpu.memory_space<semaphore_mem>>)
    %dma_wait3A = arith.constant 0 : i32
    %dma_wait3A_30 = arith.constant 0 : i32
    %dma_wait3A_31 = tpu.memref_slice %arg5[%dma_wait3A, %dma_wait3A_30] : memref<4x16xi32, #tpu.memory_space<vmem>> -> memref<1x16xi32, #tpu.memory_space<vmem>>
    %dma_wait3A_32 = tpu.memref_squeeze %dma_wait3A_31 : memref<1x16xi32, #tpu.memory_space<vmem>> -> memref<16xi32, #tpu.memory_space<vmem>>
    %dma_wait3A_33 = arith.constant 0 : i32
    %dma_wait3A_34 = arith.constant 0 : i32
    %dma_wait3A_35 = tpu.memref_slice %arg2[%dma_wait3A_33, %dma_wait3A_34] : memref<100000x1024xf32, #tpu.memory_space<hbm>> -> memref<100000x1024xf32, #tpu.memory_space<hbm>>
    tpu.wait_indirect_dma semaphore(%arg10 : memref<!tpu.dma_semaphore, #tpu.memory_space<semaphore_mem>>) src(%dma_wait3A_35 : memref<100000x1024xf32, #tpu.memory_space<hbm>>) dst(%arg6 : memref<16x1024xf32, #tpu.memory_space<vmem>>)
    %add3A_36 = arith.constant 0 : i32
    %add3A_37 = arith.addi %mul3A_2, %add3A_36 : i32
    %dma_start3A_38 = arith.constant 0 : i32
    %dma_start3A_39 = tpu.memref_slice %arg4[%add3A_37, %dma_start3A_38] : memref<2048x1024xf32, #tpu.memory_space<hbm>> -> memref<16x1024xf32, #tpu.memory_space<hbm>>
    %dma_start3A_40 = arith.constant 0 : i32
    %dma_start3A_41 = tpu.memref_slice %arg4[%add3A_37, %dma_start3A_40] : memref<2048x1024xf32, #tpu.memory_space<hbm>> -> memref<16x1024xf32, #tpu.memory_space<hbm>>
    tpu.enqueue_dma source(%arg6 : memref<16x1024xf32, #tpu.memory_space<vmem>>) target(%dma_start3A_41 : memref<16x1024xf32, #tpu.memory_space<hbm>>) target_semaphore(%arg14 : memref<!tpu.dma_semaphore, #tpu.memory_space<semaphore_mem>>)
    %dma_wait3A_42 = arith.constant 1 : i32
    %dma_wait3A_43 = arith.constant 0 : i32
    %dma_wait3A_44 = tpu.memref_slice %arg5[%dma_wait3A_42, %dma_wait3A_43] : memref<4x16xi32, #tpu.memory_space<vmem>> -> memref<1x16xi32, #tpu.memory_space<vmem>>
    %dma_wait3A_45 = tpu.memref_squeeze %dma_wait3A_44 : memref<1x16xi32, #tpu.memory_space<vmem>> -> memref<16xi32, #tpu.memory_space<vmem>>
    %dma_wait3A_46 = arith.constant 0 : i32
    %dma_wait3A_47 = arith.constant 0 : i32
    %dma_wait3A_48 = tpu.memref_slice %arg2[%dma_wait3A_46, %dma_wait3A_47] : memref<100000x1024xf32, #tpu.memory_space<hbm>> -> memref<100000x1024xf32, #tpu.memory_space<hbm>>
    tpu.wait_indirect_dma semaphore(%arg11 : memref<!tpu.dma_semaphore, #tpu.memory_space<semaphore_mem>>) src(%dma_wait3A_48 : memref<100000x1024xf32, #tpu.memory_space<hbm>>) dst(%arg7 : memref<16x1024xf32, #tpu.memory_space<vmem>>)
    %add3A_49 = arith.constant 16 : i32
    %add3A_50 = arith.addi %mul3A_2, %add3A_49 : i32
    %dma_start3A_51 = arith.constant 0 : i32
    %dma_start3A_52 = tpu.memref_slice %arg4[%add3A_50, %dma_start3A_51] : memref<2048x1024xf32, #tpu.memory_space<hbm>> -> memref<16x1024xf32, #tpu.memory_space<hbm>>
    %dma_start3A_53 = arith.constant 0 : i32
    %dma_start3A_54 = tpu.memref_slice %arg4[%add3A_50, %dma_start3A_53] : memref<2048x1024xf32, #tpu.memory_space<hbm>> -> memref<16x1024xf32, #tpu.memory_space<hbm>>
    tpu.enqueue_dma source(%arg7 : memref<16x1024xf32, #tpu.memory_space<vmem>>) target(%dma_start3A_54 : memref<16x1024xf32, #tpu.memory_space<hbm>>) target_semaphore(%arg15 : memref<!tpu.dma_semaphore, #tpu.memory_space<semaphore_mem>>)
    %dma_wait3A_55 = arith.constant 2 : i32
    %dma_wait3A_56 = arith.constant 0 : i32
    %dma_wait3A_57 = tpu.memref_slice %arg5[%dma_wait3A_55, %dma_wait3A_56] : memref<4x16xi32, #tpu.memory_space<vmem>> -> memref<1x16xi32, #tpu.memory_space<vmem>>
    %dma_wait3A_58 = tpu.memref_squeeze %dma_wait3A_57 : memref<1x16xi32, #tpu.memory_space<vmem>> -> memref<16xi32, #tpu.memory_space<vmem>>
    %dma_wait3A_59 = arith.constant 0 : i32
    %dma_wait3A_60 = arith.constant 0 : i32
    %dma_wait3A_61 = tpu.memref_slice %arg2[%dma_wait3A_59, %dma_wait3A_60] : memref<100000x1024xf32, #tpu.memory_space<hbm>> -> memref<100000x1024xf32, #tpu.memory_space<hbm>>
    tpu.wait_indirect_dma semaphore(%arg12 : memref<!tpu.dma_semaphore, #tpu.memory_space<semaphore_mem>>) src(%dma_wait3A_61 : memref<100000x1024xf32, #tpu.memory_space<hbm>>) dst(%arg8 : memref<16x1024xf32, #tpu.memory_space<vmem>>)
    %add3A_62 = arith.constant 32 : i32
    %add3A_63 = arith.addi %mul3A_2, %add3A_62 : i32
    %dma_start3A_64 = arith.constant 0 : i32
    %dma_start3A_65 = tpu.memref_slice %arg4[%add3A_63, %dma_start3A_64] : memref<2048x1024xf32, #tpu.memory_space<hbm>> -> memref<16x1024xf32, #tpu.memory_space<hbm>>
    %dma_start3A_66 = arith.constant 0 : i32
    %dma_start3A_67 = tpu.memref_slice %arg4[%add3A_63, %dma_start3A_66] : memref<2048x1024xf32, #tpu.memory_space<hbm>> -> memref<16x1024xf32, #tpu.memory_space<hbm>>
    tpu.enqueue_dma source(%arg8 : memref<16x1024xf32, #tpu.memory_space<vmem>>) target(%dma_start3A_67 : memref<16x1024xf32, #tpu.memory_space<hbm>>) target_semaphore(%arg16 : memref<!tpu.dma_semaphore, #tpu.memory_space<semaphore_mem>>)
    %dma_wait3A_68 = arith.constant 3 : i32
    %dma_wait3A_69 = arith.constant 0 : i32
    %dma_wait3A_70 = tpu.memref_slice %arg5[%dma_wait3A_68, %dma_wait3A_69] : memref<4x16xi32, #tpu.memory_space<vmem>> -> memref<1x16xi32, #tpu.memory_space<vmem>>
    %dma_wait3A_71 = tpu.memref_squeeze %dma_wait3A_70 : memref<1x16xi32, #tpu.memory_space<vmem>> -> memref<16xi32, #tpu.memory_space<vmem>>
    %dma_wait3A_72 = arith.constant 0 : i32
    %dma_wait3A_73 = arith.constant 0 : i32
    %dma_wait3A_74 = tpu.memref_slice %arg2[%dma_wait3A_72, %dma_wait3A_73] : memref<100000x1024xf32, #tpu.memory_space<hbm>> -> memref<100000x1024xf32, #tpu.memory_space<hbm>>
    tpu.wait_indirect_dma semaphore(%arg13 : memref<!tpu.dma_semaphore, #tpu.memory_space<semaphore_mem>>) src(%dma_wait3A_74 : memref<100000x1024xf32, #tpu.memory_space<hbm>>) dst(%arg9 : memref<16x1024xf32, #tpu.memory_space<vmem>>)
    %add3A_75 = arith.constant 48 : i32
    %add3A_76 = arith.addi %mul3A_2, %add3A_75 : i32
    %dma_start3A_77 = arith.constant 0 : i32
    %dma_start3A_78 = tpu.memref_slice %arg4[%add3A_76, %dma_start3A_77] : memref<2048x1024xf32, #tpu.memory_space<hbm>> -> memref<16x1024xf32, #tpu.memory_space<hbm>>
    %dma_start3A_79 = arith.constant 0 : i32
    %dma_start3A_80 = tpu.memref_slice %arg4[%add3A_76, %dma_start3A_79] : memref<2048x1024xf32, #tpu.memory_space<hbm>> -> memref<16x1024xf32, #tpu.memory_space<hbm>>
    tpu.enqueue_dma source(%arg9 : memref<16x1024xf32, #tpu.memory_space<vmem>>) target(%dma_start3A_80 : memref<16x1024xf32, #tpu.memory_space<hbm>>) target_semaphore(%arg17 : memref<!tpu.dma_semaphore, #tpu.memory_space<semaphore_mem>>)
    %dma_wait3A_81 = arith.constant 0 : i32
    %dma_wait3A_82 = tpu.memref_slice %arg4[%add3A_37, %dma_wait3A_81] : memref<2048x1024xf32, #tpu.memory_space<hbm>> -> memref<16x1024xf32, #tpu.memory_space<hbm>>
    %dma_wait3A_83 = arith.constant 0 : i32
    %dma_wait3A_84 = tpu.memref_slice %arg4[%add3A_37, %dma_wait3A_83] : memref<2048x1024xf32, #tpu.memory_space<hbm>> -> memref<16x1024xf32, #tpu.memory_space<hbm>>
    tpu.wait_dma2 semaphore(%arg14 : memref<!tpu.dma_semaphore, #tpu.memory_space<semaphore_mem>>) src(%arg6 : memref<16x1024xf32, #tpu.memory_space<vmem>>) dst(%dma_wait3A_84 : memref<16x1024xf32, #tpu.memory_space<hbm>>)
    %dma_wait3A_85 = arith.constant 0 : i32
    %dma_wait3A_86 = tpu.memref_slice %arg4[%add3A_50, %dma_wait3A_85] : memref<2048x1024xf32, #tpu.memory_space<hbm>> -> memref<16x1024xf32, #tpu.memory_space<hbm>>
    %dma_wait3A_87 = arith.constant 0 : i32
    %dma_wait3A_88 = tpu.memref_slice %arg4[%add3A_50, %dma_wait3A_87] : memref<2048x1024xf32, #tpu.memory_space<hbm>> -> memref<16x1024xf32, #tpu.memory_space<hbm>>
    tpu.wait_dma2 semaphore(%arg15 : memref<!tpu.dma_semaphore, #tpu.memory_space<semaphore_mem>>) src(%arg7 : memref<16x1024xf32, #tpu.memory_space<vmem>>) dst(%dma_wait3A_88 : memref<16x1024xf32, #tpu.memory_space<hbm>>)
    %dma_wait3A_89 = arith.constant 0 : i32
    %dma_wait3A_90 = tpu.memref_slice %arg4[%add3A_63, %dma_wait3A_89] : memref<2048x1024xf32, #tpu.memory_space<hbm>> -> memref<16x1024xf32, #tpu.memory_space<hbm>>
    %dma_wait3A_91 = arith.constant 0 : i32
    %dma_wait3A_92 = tpu.memref_slice %arg4[%add3A_63, %dma_wait3A_91] : memref<2048x1024xf32, #tpu.memory_space<hbm>> -> memref<16x1024xf32, #tpu.memory_space<hbm>>
    tpu.wait_dma2 semaphore(%arg16 : memref<!tpu.dma_semaphore, #tpu.memory_space<semaphore_mem>>) src(%arg8 : memref<16x1024xf32, #tpu.memory_space<vmem>>) dst(%dma_wait3A_92 : memref<16x1024xf32, #tpu.memory_space<hbm>>)
    %dma_wait3A_93 = arith.constant 0 : i32
    %dma_wait3A_94 = tpu.memref_slice %arg4[%add3A_76, %dma_wait3A_93] : memref<2048x1024xf32, #tpu.memory_space<hbm>> -> memref<16x1024xf32, #tpu.memory_space<hbm>>
    %dma_wait3A_95 = arith.constant 0 : i32
    %dma_wait3A_96 = tpu.memref_slice %arg4[%add3A_76, %dma_wait3A_95] : memref<2048x1024xf32, #tpu.memory_space<hbm>> -> memref<16x1024xf32, #tpu.memory_space<hbm>>
    tpu.wait_dma2 semaphore(%arg17 : memref<!tpu.dma_semaphore, #tpu.memory_space<semaphore_mem>>) src(%arg9 : memref<16x1024xf32, #tpu.memory_space<vmem>>) dst(%dma_wait3A_96 : memref<16x1024xf32, #tpu.memory_space<hbm>>)
    return
  }
}

#map = affine_map<(d0, d1) -> (0, 0)>
module attributes {stable_mosaic.version = 14 : i64} {
  func.func @_sc_gather(%arg0: i32, %arg1: i32, %arg2: memref<100000x1024xf32, #tpu.memory_space<hbm>>, %arg3: memref<4x2048xi32, #tpu.memory_space<hbm>>, %arg4: memref<4096x1024xf32, #tpu.memory_space<hbm>>, %arg5: memref<128xi32, #tpu.memory_space<vmem>>, %arg6: memref<16x1024xf32, #tpu.memory_space<vmem>>, %arg7: memref<16x1024xf32, #tpu.memory_space<vmem>>, %arg8: memref<16x1024xf32, #tpu.memory_space<vmem>>, %arg9: memref<16x1024xf32, #tpu.memory_space<vmem>>, %arg10: memref<16x1024xf32, #tpu.memory_space<vmem>>, %arg11: memref<16x1024xf32, #tpu.memory_space<vmem>>, %arg12: memref<!tpu.dma_semaphore, #tpu.memory_space<semaphore_mem>>, %arg13: memref<!tpu.dma_semaphore, #tpu.memory_space<semaphore_mem>>, %arg14: memref<!tpu.dma_semaphore, #tpu.memory_space<semaphore_mem>>, %arg15: memref<!tpu.dma_semaphore, #tpu.memory_space<semaphore_mem>>, %arg16: memref<!tpu.dma_semaphore, #tpu.memory_space<semaphore_mem>>, %arg17: memref<!tpu.dma_semaphore, #tpu.memory_space<semaphore_mem>>, %arg18: memref<!tpu.dma_semaphore, #tpu.memory_space<semaphore_mem>>, %arg19: memref<!tpu.dma_semaphore, #tpu.memory_space<semaphore_mem>>, %arg20: memref<!tpu.dma_semaphore, #tpu.memory_space<semaphore_mem>>, %arg21: memref<!tpu.dma_semaphore, #tpu.memory_space<semaphore_mem>>, %arg22: memref<!tpu.dma_semaphore, #tpu.memory_space<semaphore_mem>>, %arg23: memref<!tpu.dma_semaphore, #tpu.memory_space<semaphore_mem>>) attributes {dimension_semantics = [#tpu.dimension_semantics<core_parallel>, #tpu.dimension_semantics<subcore_parallel>], iteration_bounds = array<i64: 2, 16>, scalar_prefetch = 0 : i64, scratch_operands = 19 : i64, tpu.core_type = #tpu.core_type<sc_vector_subcore>, window_params = [{transform_indices = #map}, {transform_indices = #map}, {transform_indices = #map}]} {
    %mul3A = arith.constant 2 : i32
    %mul3A_0 = arith.muli %arg1, %mul3A : i32
    %add3A = arith.addi %mul3A_0, %arg0 : i32
    %jit3A = arith.constant 8 : i32
    %div3A = arith.divsi %add3A, %jit3A : i32
    %sign3A = arith.constant 0 : i32
    %sign3A_1 = arith.cmpi sgt, %add3A, %sign3A : i32
    %sign3A_2 = arith.extui %sign3A_1 : i1 to i32
    %sign3A_3 = arith.constant 0 : i32
    %sign3A_4 = arith.cmpi slt, %add3A, %sign3A_3 : i32
    %sign3A_5 = arith.extui %sign3A_4 : i1 to i32
    %sign3A_6 = arith.subi %sign3A_2, %sign3A_5 : i32
    %sign3A_7 = arith.constant 0 : i32
    %sign3A_8 = arith.cmpi sgt, %jit3A, %sign3A_7 : i32
    %sign3A_9 = arith.extui %sign3A_8 : i1 to i32
    %sign3A_10 = arith.constant 0 : i32
    %sign3A_11 = arith.cmpi slt, %jit3A, %sign3A_10 : i32
    %sign3A_12 = arith.extui %sign3A_11 : i1 to i32
    %sign3A_13 = arith.subi %sign3A_9, %sign3A_12 : i32
    %ne3A = arith.cmpi ne, %sign3A_6, %sign3A_13 : i32
    %rem3A = arith.remsi %add3A, %jit3A : i32
    %ne3A_14 = arith.constant 0 : i32
    %ne3A_15 = arith.cmpi ne, %rem3A, %ne3A_14 : i32
    %and3A = arith.andi %ne3A, %ne3A_15 : i1
    %sub3A = arith.constant 1 : i32
    %sub3A_16 = arith.subi %div3A, %sub3A : i32
    %select_n3A = arith.select %and3A, %sub3A_16, %div3A : i32
    %jit3A_17 = arith.constant 8 : i32
    %eq3A = arith.constant 0 : i32
    %eq3A_18 = arith.cmpi eq, %jit3A_17, %eq3A : i32
    %jit3A_19 = arith.constant 1 : i32
    %select_n3A_20 = arith.select %eq3A_18, %jit3A_19, %jit3A_17 : i32
    %rem3A_21 = arith.remsi %add3A, %select_n3A_20 : i32
    %ne3A_22 = arith.constant 0 : i32
    %ne3A_23 = arith.cmpi ne, %rem3A_21, %ne3A_22 : i32
    %lt3A = arith.constant 0 : i32
    %lt3A_24 = arith.cmpi slt, %rem3A_21, %lt3A : i32
    %lt3A_25 = arith.constant 0 : i32
    %lt3A_26 = arith.cmpi slt, %select_n3A_20, %lt3A_25 : i32
    %ne3A_27 = arith.xori %lt3A_24, %lt3A_26 : i1
    %and3A_28 = arith.andi %ne3A_27, %ne3A_23 : i1
    %add3A_29 = arith.addi %rem3A_21, %select_n3A_20 : i32
    %select_n3A_30 = arith.select %and3A_28, %add3A_29, %rem3A_21 : i32
    %mul3A_31 = arith.constant 128 : i32
    %mul3A_32 = arith.muli %select_n3A_30, %mul3A_31 : i32
    %add3A_33 = arith.constant 0 : i32
    %add3A_34 = arith.addi %mul3A_32, %add3A_33 : i32
    "tpu.region"() ({
      %run_scoped3A = tpu.sem_alloc : memref<!tpu.dma_semaphore, #tpu.memory_space<semaphore_mem>>
      %dma_start3A_195 = tpu.memref_slice %arg3[%select_n3A, %add3A_34] : memref<4x2048xi32, #tpu.memory_space<hbm>> -> memref<1x128xi32, #tpu.memory_space<hbm>>
      %dma_start3A_196 = tpu.memref_squeeze %dma_start3A_195 : memref<1x128xi32, #tpu.memory_space<hbm>> -> memref<128xi32, #tpu.memory_space<hbm>>
      %dma_start3A_197 = tpu.memref_slice %arg3[%select_n3A, %add3A_34] : memref<4x2048xi32, #tpu.memory_space<hbm>> -> memref<1x128xi32, #tpu.memory_space<hbm>>
      %dma_start3A_198 = tpu.memref_squeeze %dma_start3A_197 : memref<1x128xi32, #tpu.memory_space<hbm>> -> memref<128xi32, #tpu.memory_space<hbm>>
      tpu.enqueue_dma source(%dma_start3A_198 : memref<128xi32, #tpu.memory_space<hbm>>) target(%arg5 : memref<128xi32, #tpu.memory_space<vmem>>) target_semaphore(%run_scoped3A : memref<!tpu.dma_semaphore, #tpu.memory_space<semaphore_mem>>)
      %dma_wait3A_199 = tpu.memref_slice %arg3[%select_n3A, %add3A_34] : memref<4x2048xi32, #tpu.memory_space<hbm>> -> memref<1x128xi32, #tpu.memory_space<hbm>>
      %dma_wait3A_200 = tpu.memref_squeeze %dma_wait3A_199 : memref<1x128xi32, #tpu.memory_space<hbm>> -> memref<128xi32, #tpu.memory_space<hbm>>
      %dma_wait3A_201 = tpu.memref_slice %arg3[%select_n3A, %add3A_34] : memref<4x2048xi32, #tpu.memory_space<hbm>> -> memref<1x128xi32, #tpu.memory_space<hbm>>
      %dma_wait3A_202 = tpu.memref_squeeze %dma_wait3A_201 : memref<1x128xi32, #tpu.memory_space<hbm>> -> memref<128xi32, #tpu.memory_space<hbm>>
      tpu.wait_dma2 semaphore(%run_scoped3A : memref<!tpu.dma_semaphore, #tpu.memory_space<semaphore_mem>>) src(%dma_wait3A_202 : memref<128xi32, #tpu.memory_space<hbm>>) dst(%arg5 : memref<128xi32, #tpu.memory_space<vmem>>)
      tpu.yield
    }) : () -> ()
    %mul3A_35 = arith.constant 128 : i32
    %mul3A_36 = arith.muli %add3A, %mul3A_35 : i32
    %dma_start3A = arith.constant 0 : i32
    %dma_start3A_37 = tpu.memref_slice %arg5[%dma_start3A] : memref<128xi32, #tpu.memory_space<vmem>> -> memref<16xi32, #tpu.memory_space<vmem>>
    %dma_start3A_38 = arith.constant 0 : i32
    %dma_start3A_39 = arith.constant 0 : i32
    %dma_start3A_40 = tpu.memref_slice %arg2[%dma_start3A_38, %dma_start3A_39] : memref<100000x1024xf32, #tpu.memory_space<hbm>> -> memref<100000x1024xf32, #tpu.memory_space<hbm>>
    tpu.enqueue_indirect_dma source(%dma_start3A_40 : memref<100000x1024xf32, #tpu.memory_space<hbm>>) target(%arg6 : memref<16x1024xf32, #tpu.memory_space<vmem>>) offsets(%dma_start3A_37 : memref<16xi32, #tpu.memory_space<vmem>>) semaphore(%arg12 : memref<!tpu.dma_semaphore, #tpu.memory_space<semaphore_mem>>)
    %dma_start3A_41 = arith.constant 16 : i32
    %dma_start3A_42 = tpu.memref_slice %arg5[%dma_start3A_41] : memref<128xi32, #tpu.memory_space<vmem>> -> memref<16xi32, #tpu.memory_space<vmem>>
    %dma_start3A_43 = arith.constant 0 : i32
    %dma_start3A_44 = arith.constant 0 : i32
    %dma_start3A_45 = tpu.memref_slice %arg2[%dma_start3A_43, %dma_start3A_44] : memref<100000x1024xf32, #tpu.memory_space<hbm>> -> memref<100000x1024xf32, #tpu.memory_space<hbm>>
    tpu.enqueue_indirect_dma source(%dma_start3A_45 : memref<100000x1024xf32, #tpu.memory_space<hbm>>) target(%arg7 : memref<16x1024xf32, #tpu.memory_space<vmem>>) offsets(%dma_start3A_42 : memref<16xi32, #tpu.memory_space<vmem>>) semaphore(%arg13 : memref<!tpu.dma_semaphore, #tpu.memory_space<semaphore_mem>>)
    %dma_start3A_46 = arith.constant 32 : i32
    %dma_start3A_47 = tpu.memref_slice %arg5[%dma_start3A_46] : memref<128xi32, #tpu.memory_space<vmem>> -> memref<16xi32, #tpu.memory_space<vmem>>
    %dma_start3A_48 = arith.constant 0 : i32
    %dma_start3A_49 = arith.constant 0 : i32
    %dma_start3A_50 = tpu.memref_slice %arg2[%dma_start3A_48, %dma_start3A_49] : memref<100000x1024xf32, #tpu.memory_space<hbm>> -> memref<100000x1024xf32, #tpu.memory_space<hbm>>
    tpu.enqueue_indirect_dma source(%dma_start3A_50 : memref<100000x1024xf32, #tpu.memory_space<hbm>>) target(%arg8 : memref<16x1024xf32, #tpu.memory_space<vmem>>) offsets(%dma_start3A_47 : memref<16xi32, #tpu.memory_space<vmem>>) semaphore(%arg14 : memref<!tpu.dma_semaphore, #tpu.memory_space<semaphore_mem>>)
    %dma_start3A_51 = arith.constant 48 : i32
    %dma_start3A_52 = tpu.memref_slice %arg5[%dma_start3A_51] : memref<128xi32, #tpu.memory_space<vmem>> -> memref<16xi32, #tpu.memory_space<vmem>>
    %dma_start3A_53 = arith.constant 0 : i32
    %dma_start3A_54 = arith.constant 0 : i32
    %dma_start3A_55 = tpu.memref_slice %arg2[%dma_start3A_53, %dma_start3A_54] : memref<100000x1024xf32, #tpu.memory_space<hbm>> -> memref<100000x1024xf32, #tpu.memory_space<hbm>>
    tpu.enqueue_indirect_dma source(%dma_start3A_55 : memref<100000x1024xf32, #tpu.memory_space<hbm>>) target(%arg9 : memref<16x1024xf32, #tpu.memory_space<vmem>>) offsets(%dma_start3A_52 : memref<16xi32, #tpu.memory_space<vmem>>) semaphore(%arg15 : memref<!tpu.dma_semaphore, #tpu.memory_space<semaphore_mem>>)
    %dma_start3A_56 = arith.constant 64 : i32
    %dma_start3A_57 = tpu.memref_slice %arg5[%dma_start3A_56] : memref<128xi32, #tpu.memory_space<vmem>> -> memref<16xi32, #tpu.memory_space<vmem>>
    %dma_start3A_58 = arith.constant 0 : i32
    %dma_start3A_59 = arith.constant 0 : i32
    %dma_start3A_60 = tpu.memref_slice %arg2[%dma_start3A_58, %dma_start3A_59] : memref<100000x1024xf32, #tpu.memory_space<hbm>> -> memref<100000x1024xf32, #tpu.memory_space<hbm>>
    tpu.enqueue_indirect_dma source(%dma_start3A_60 : memref<100000x1024xf32, #tpu.memory_space<hbm>>) target(%arg10 : memref<16x1024xf32, #tpu.memory_space<vmem>>) offsets(%dma_start3A_57 : memref<16xi32, #tpu.memory_space<vmem>>) semaphore(%arg16 : memref<!tpu.dma_semaphore, #tpu.memory_space<semaphore_mem>>)
    %dma_start3A_61 = arith.constant 80 : i32
    %dma_start3A_62 = tpu.memref_slice %arg5[%dma_start3A_61] : memref<128xi32, #tpu.memory_space<vmem>> -> memref<16xi32, #tpu.memory_space<vmem>>
    %dma_start3A_63 = arith.constant 0 : i32
    %dma_start3A_64 = arith.constant 0 : i32
    %dma_start3A_65 = tpu.memref_slice %arg2[%dma_start3A_63, %dma_start3A_64] : memref<100000x1024xf32, #tpu.memory_space<hbm>> -> memref<100000x1024xf32, #tpu.memory_space<hbm>>
    tpu.enqueue_indirect_dma source(%dma_start3A_65 : memref<100000x1024xf32, #tpu.memory_space<hbm>>) target(%arg11 : memref<16x1024xf32, #tpu.memory_space<vmem>>) offsets(%dma_start3A_62 : memref<16xi32, #tpu.memory_space<vmem>>) semaphore(%arg17 : memref<!tpu.dma_semaphore, #tpu.memory_space<semaphore_mem>>)
    %dma_wait3A = arith.constant 0 : i32
    %dma_wait3A_66 = tpu.memref_slice %arg5[%dma_wait3A] : memref<128xi32, #tpu.memory_space<vmem>> -> memref<16xi32, #tpu.memory_space<vmem>>
    %dma_wait3A_67 = arith.constant 0 : i32
    %dma_wait3A_68 = arith.constant 0 : i32
    %dma_wait3A_69 = tpu.memref_slice %arg2[%dma_wait3A_67, %dma_wait3A_68] : memref<100000x1024xf32, #tpu.memory_space<hbm>> -> memref<100000x1024xf32, #tpu.memory_space<hbm>>
    tpu.wait_indirect_dma semaphore(%arg12 : memref<!tpu.dma_semaphore, #tpu.memory_space<semaphore_mem>>) src(%dma_wait3A_69 : memref<100000x1024xf32, #tpu.memory_space<hbm>>) dst(%arg6 : memref<16x1024xf32, #tpu.memory_space<vmem>>)
    %add3A_70 = arith.constant 0 : i32
    %add3A_71 = arith.addi %mul3A_36, %add3A_70 : i32
    %dma_start3A_72 = arith.constant 0 : i32
    %dma_start3A_73 = tpu.memref_slice %arg4[%add3A_71, %dma_start3A_72] : memref<4096x1024xf32, #tpu.memory_space<hbm>> -> memref<16x1024xf32, #tpu.memory_space<hbm>>
    %dma_start3A_74 = arith.constant 0 : i32
    %dma_start3A_75 = tpu.memref_slice %arg4[%add3A_71, %dma_start3A_74] : memref<4096x1024xf32, #tpu.memory_space<hbm>> -> memref<16x1024xf32, #tpu.memory_space<hbm>>
    tpu.enqueue_dma source(%arg6 : memref<16x1024xf32, #tpu.memory_space<vmem>>) target(%dma_start3A_75 : memref<16x1024xf32, #tpu.memory_space<hbm>>) target_semaphore(%arg18 : memref<!tpu.dma_semaphore, #tpu.memory_space<semaphore_mem>>)
    %dma_wait3A_76 = arith.constant 0 : i32
    %dma_wait3A_77 = tpu.memref_slice %arg4[%add3A_71, %dma_wait3A_76] : memref<4096x1024xf32, #tpu.memory_space<hbm>> -> memref<16x1024xf32, #tpu.memory_space<hbm>>
    %dma_wait3A_78 = arith.constant 0 : i32
    %dma_wait3A_79 = tpu.memref_slice %arg4[%add3A_71, %dma_wait3A_78] : memref<4096x1024xf32, #tpu.memory_space<hbm>> -> memref<16x1024xf32, #tpu.memory_space<hbm>>
    tpu.wait_dma2 semaphore(%arg18 : memref<!tpu.dma_semaphore, #tpu.memory_space<semaphore_mem>>) src(%arg6 : memref<16x1024xf32, #tpu.memory_space<vmem>>) dst(%dma_wait3A_79 : memref<16x1024xf32, #tpu.memory_space<hbm>>)
    %dma_start3A_80 = arith.constant 96 : i32
    %dma_start3A_81 = tpu.memref_slice %arg5[%dma_start3A_80] : memref<128xi32, #tpu.memory_space<vmem>> -> memref<16xi32, #tpu.memory_space<vmem>>
    %dma_start3A_82 = arith.constant 0 : i32
    %dma_start3A_83 = arith.constant 0 : i32
    %dma_start3A_84 = tpu.memref_slice %arg2[%dma_start3A_82, %dma_start3A_83] : memref<100000x1024xf32, #tpu.memory_space<hbm>> -> memref<100000x1024xf32, #tpu.memory_space<hbm>>
    tpu.enqueue_indirect_dma source(%dma_start3A_84 : memref<100000x1024xf32, #tpu.memory_space<hbm>>) target(%arg6 : memref<16x1024xf32, #tpu.memory_space<vmem>>) offsets(%dma_start3A_81 : memref<16xi32, #tpu.memory_space<vmem>>) semaphore(%arg12 : memref<!tpu.dma_semaphore, #tpu.memory_space<semaphore_mem>>)
    %dma_wait3A_85 = arith.constant 16 : i32
    %dma_wait3A_86 = tpu.memref_slice %arg5[%dma_wait3A_85] : memref<128xi32, #tpu.memory_space<vmem>> -> memref<16xi32, #tpu.memory_space<vmem>>
    %dma_wait3A_87 = arith.constant 0 : i32
    %dma_wait3A_88 = arith.constant 0 : i32
    %dma_wait3A_89 = tpu.memref_slice %arg2[%dma_wait3A_87, %dma_wait3A_88] : memref<100000x1024xf32, #tpu.memory_space<hbm>> -> memref<100000x1024xf32, #tpu.memory_space<hbm>>
    tpu.wait_indirect_dma semaphore(%arg13 : memref<!tpu.dma_semaphore, #tpu.memory_space<semaphore_mem>>) src(%dma_wait3A_89 : memref<100000x1024xf32, #tpu.memory_space<hbm>>) dst(%arg7 : memref<16x1024xf32, #tpu.memory_space<vmem>>)
    %add3A_90 = arith.constant 16 : i32
    %add3A_91 = arith.addi %mul3A_36, %add3A_90 : i32
    %dma_start3A_92 = arith.constant 0 : i32
    %dma_start3A_93 = tpu.memref_slice %arg4[%add3A_91, %dma_start3A_92] : memref<4096x1024xf32, #tpu.memory_space<hbm>> -> memref<16x1024xf32, #tpu.memory_space<hbm>>
    %dma_start3A_94 = arith.constant 0 : i32
    %dma_start3A_95 = tpu.memref_slice %arg4[%add3A_91, %dma_start3A_94] : memref<4096x1024xf32, #tpu.memory_space<hbm>> -> memref<16x1024xf32, #tpu.memory_space<hbm>>
    tpu.enqueue_dma source(%arg7 : memref<16x1024xf32, #tpu.memory_space<vmem>>) target(%dma_start3A_95 : memref<16x1024xf32, #tpu.memory_space<hbm>>) target_semaphore(%arg19 : memref<!tpu.dma_semaphore, #tpu.memory_space<semaphore_mem>>)
    %dma_wait3A_96 = arith.constant 0 : i32
    %dma_wait3A_97 = tpu.memref_slice %arg4[%add3A_91, %dma_wait3A_96] : memref<4096x1024xf32, #tpu.memory_space<hbm>> -> memref<16x1024xf32, #tpu.memory_space<hbm>>
    %dma_wait3A_98 = arith.constant 0 : i32
    %dma_wait3A_99 = tpu.memref_slice %arg4[%add3A_91, %dma_wait3A_98] : memref<4096x1024xf32, #tpu.memory_space<hbm>> -> memref<16x1024xf32, #tpu.memory_space<hbm>>
    tpu.wait_dma2 semaphore(%arg19 : memref<!tpu.dma_semaphore, #tpu.memory_space<semaphore_mem>>) src(%arg7 : memref<16x1024xf32, #tpu.memory_space<vmem>>) dst(%dma_wait3A_99 : memref<16x1024xf32, #tpu.memory_space<hbm>>)
    %dma_start3A_100 = arith.constant 112 : i32
    %dma_start3A_101 = tpu.memref_slice %arg5[%dma_start3A_100] : memref<128xi32, #tpu.memory_space<vmem>> -> memref<16xi32, #tpu.memory_space<vmem>>
    %dma_start3A_102 = arith.constant 0 : i32
    %dma_start3A_103 = arith.constant 0 : i32
    %dma_start3A_104 = tpu.memref_slice %arg2[%dma_start3A_102, %dma_start3A_103] : memref<100000x1024xf32, #tpu.memory_space<hbm>> -> memref<100000x1024xf32, #tpu.memory_space<hbm>>
    tpu.enqueue_indirect_dma source(%dma_start3A_104 : memref<100000x1024xf32, #tpu.memory_space<hbm>>) target(%arg7 : memref<16x1024xf32, #tpu.memory_space<vmem>>) offsets(%dma_start3A_101 : memref<16xi32, #tpu.memory_space<vmem>>) semaphore(%arg13 : memref<!tpu.dma_semaphore, #tpu.memory_space<semaphore_mem>>)
    %dma_wait3A_105 = arith.constant 32 : i32
    %dma_wait3A_106 = tpu.memref_slice %arg5[%dma_wait3A_105] : memref<128xi32, #tpu.memory_space<vmem>> -> memref<16xi32, #tpu.memory_space<vmem>>
    %dma_wait3A_107 = arith.constant 0 : i32
    %dma_wait3A_108 = arith.constant 0 : i32
    %dma_wait3A_109 = tpu.memref_slice %arg2[%dma_wait3A_107, %dma_wait3A_108] : memref<100000x1024xf32, #tpu.memory_space<hbm>> -> memref<100000x1024xf32, #tpu.memory_space<hbm>>
    tpu.wait_indirect_dma semaphore(%arg14 : memref<!tpu.dma_semaphore, #tpu.memory_space<semaphore_mem>>) src(%dma_wait3A_109 : memref<100000x1024xf32, #tpu.memory_space<hbm>>) dst(%arg8 : memref<16x1024xf32, #tpu.memory_space<vmem>>)
    %add3A_110 = arith.constant 32 : i32
    %add3A_111 = arith.addi %mul3A_36, %add3A_110 : i32
    %dma_start3A_112 = arith.constant 0 : i32
    %dma_start3A_113 = tpu.memref_slice %arg4[%add3A_111, %dma_start3A_112] : memref<4096x1024xf32, #tpu.memory_space<hbm>> -> memref<16x1024xf32, #tpu.memory_space<hbm>>
    %dma_start3A_114 = arith.constant 0 : i32
    %dma_start3A_115 = tpu.memref_slice %arg4[%add3A_111, %dma_start3A_114] : memref<4096x1024xf32, #tpu.memory_space<hbm>> -> memref<16x1024xf32, #tpu.memory_space<hbm>>
    tpu.enqueue_dma source(%arg8 : memref<16x1024xf32, #tpu.memory_space<vmem>>) target(%dma_start3A_115 : memref<16x1024xf32, #tpu.memory_space<hbm>>) target_semaphore(%arg20 : memref<!tpu.dma_semaphore, #tpu.memory_space<semaphore_mem>>)
    %dma_wait3A_116 = arith.constant 48 : i32
    %dma_wait3A_117 = tpu.memref_slice %arg5[%dma_wait3A_116] : memref<128xi32, #tpu.memory_space<vmem>> -> memref<16xi32, #tpu.memory_space<vmem>>
    %dma_wait3A_118 = arith.constant 0 : i32
    %dma_wait3A_119 = arith.constant 0 : i32
    %dma_wait3A_120 = tpu.memref_slice %arg2[%dma_wait3A_118, %dma_wait3A_119] : memref<100000x1024xf32, #tpu.memory_space<hbm>> -> memref<100000x1024xf32, #tpu.memory_space<hbm>>
    tpu.wait_indirect_dma semaphore(%arg15 : memref<!tpu.dma_semaphore, #tpu.memory_space<semaphore_mem>>) src(%dma_wait3A_120 : memref<100000x1024xf32, #tpu.memory_space<hbm>>) dst(%arg9 : memref<16x1024xf32, #tpu.memory_space<vmem>>)
    %add3A_121 = arith.constant 48 : i32
    %add3A_122 = arith.addi %mul3A_36, %add3A_121 : i32
    %dma_start3A_123 = arith.constant 0 : i32
    %dma_start3A_124 = tpu.memref_slice %arg4[%add3A_122, %dma_start3A_123] : memref<4096x1024xf32, #tpu.memory_space<hbm>> -> memref<16x1024xf32, #tpu.memory_space<hbm>>
    %dma_start3A_125 = arith.constant 0 : i32
    %dma_start3A_126 = tpu.memref_slice %arg4[%add3A_122, %dma_start3A_125] : memref<4096x1024xf32, #tpu.memory_space<hbm>> -> memref<16x1024xf32, #tpu.memory_space<hbm>>
    tpu.enqueue_dma source(%arg9 : memref<16x1024xf32, #tpu.memory_space<vmem>>) target(%dma_start3A_126 : memref<16x1024xf32, #tpu.memory_space<hbm>>) target_semaphore(%arg21 : memref<!tpu.dma_semaphore, #tpu.memory_space<semaphore_mem>>)
    %dma_wait3A_127 = arith.constant 64 : i32
    %dma_wait3A_128 = tpu.memref_slice %arg5[%dma_wait3A_127] : memref<128xi32, #tpu.memory_space<vmem>> -> memref<16xi32, #tpu.memory_space<vmem>>
    %dma_wait3A_129 = arith.constant 0 : i32
    %dma_wait3A_130 = arith.constant 0 : i32
    %dma_wait3A_131 = tpu.memref_slice %arg2[%dma_wait3A_129, %dma_wait3A_130] : memref<100000x1024xf32, #tpu.memory_space<hbm>> -> memref<100000x1024xf32, #tpu.memory_space<hbm>>
    tpu.wait_indirect_dma semaphore(%arg16 : memref<!tpu.dma_semaphore, #tpu.memory_space<semaphore_mem>>) src(%dma_wait3A_131 : memref<100000x1024xf32, #tpu.memory_space<hbm>>) dst(%arg10 : memref<16x1024xf32, #tpu.memory_space<vmem>>)
    %add3A_132 = arith.constant 64 : i32
    %add3A_133 = arith.addi %mul3A_36, %add3A_132 : i32
    %dma_start3A_134 = arith.constant 0 : i32
    %dma_start3A_135 = tpu.memref_slice %arg4[%add3A_133, %dma_start3A_134] : memref<4096x1024xf32, #tpu.memory_space<hbm>> -> memref<16x1024xf32, #tpu.memory_space<hbm>>
    %dma_start3A_136 = arith.constant 0 : i32
    %dma_start3A_137 = tpu.memref_slice %arg4[%add3A_133, %dma_start3A_136] : memref<4096x1024xf32, #tpu.memory_space<hbm>> -> memref<16x1024xf32, #tpu.memory_space<hbm>>
    tpu.enqueue_dma source(%arg10 : memref<16x1024xf32, #tpu.memory_space<vmem>>) target(%dma_start3A_137 : memref<16x1024xf32, #tpu.memory_space<hbm>>) target_semaphore(%arg22 : memref<!tpu.dma_semaphore, #tpu.memory_space<semaphore_mem>>)
    %dma_wait3A_138 = arith.constant 80 : i32
    %dma_wait3A_139 = tpu.memref_slice %arg5[%dma_wait3A_138] : memref<128xi32, #tpu.memory_space<vmem>> -> memref<16xi32, #tpu.memory_space<vmem>>
    %dma_wait3A_140 = arith.constant 0 : i32
    %dma_wait3A_141 = arith.constant 0 : i32
    %dma_wait3A_142 = tpu.memref_slice %arg2[%dma_wait3A_140, %dma_wait3A_141] : memref<100000x1024xf32, #tpu.memory_space<hbm>> -> memref<100000x1024xf32, #tpu.memory_space<hbm>>
    tpu.wait_indirect_dma semaphore(%arg17 : memref<!tpu.dma_semaphore, #tpu.memory_space<semaphore_mem>>) src(%dma_wait3A_142 : memref<100000x1024xf32, #tpu.memory_space<hbm>>) dst(%arg11 : memref<16x1024xf32, #tpu.memory_space<vmem>>)
    %add3A_143 = arith.constant 80 : i32
    %add3A_144 = arith.addi %mul3A_36, %add3A_143 : i32
    %dma_start3A_145 = arith.constant 0 : i32
    %dma_start3A_146 = tpu.memref_slice %arg4[%add3A_144, %dma_start3A_145] : memref<4096x1024xf32, #tpu.memory_space<hbm>> -> memref<16x1024xf32, #tpu.memory_space<hbm>>
    %dma_start3A_147 = arith.constant 0 : i32
    %dma_start3A_148 = tpu.memref_slice %arg4[%add3A_144, %dma_start3A_147] : memref<4096x1024xf32, #tpu.memory_space<hbm>> -> memref<16x1024xf32, #tpu.memory_space<hbm>>
    tpu.enqueue_dma source(%arg11 : memref<16x1024xf32, #tpu.memory_space<vmem>>) target(%dma_start3A_148 : memref<16x1024xf32, #tpu.memory_space<hbm>>) target_semaphore(%arg23 : memref<!tpu.dma_semaphore, #tpu.memory_space<semaphore_mem>>)
    %dma_wait3A_149 = arith.constant 96 : i32
    %dma_wait3A_150 = tpu.memref_slice %arg5[%dma_wait3A_149] : memref<128xi32, #tpu.memory_space<vmem>> -> memref<16xi32, #tpu.memory_space<vmem>>
    %dma_wait3A_151 = arith.constant 0 : i32
    %dma_wait3A_152 = arith.constant 0 : i32
    %dma_wait3A_153 = tpu.memref_slice %arg2[%dma_wait3A_151, %dma_wait3A_152] : memref<100000x1024xf32, #tpu.memory_space<hbm>> -> memref<100000x1024xf32, #tpu.memory_space<hbm>>
    tpu.wait_indirect_dma semaphore(%arg12 : memref<!tpu.dma_semaphore, #tpu.memory_space<semaphore_mem>>) src(%dma_wait3A_153 : memref<100000x1024xf32, #tpu.memory_space<hbm>>) dst(%arg6 : memref<16x1024xf32, #tpu.memory_space<vmem>>)
    %add3A_154 = arith.constant 96 : i32
    %add3A_155 = arith.addi %mul3A_36, %add3A_154 : i32
    %dma_start3A_156 = arith.constant 0 : i32
    %dma_start3A_157 = tpu.memref_slice %arg4[%add3A_155, %dma_start3A_156] : memref<4096x1024xf32, #tpu.memory_space<hbm>> -> memref<16x1024xf32, #tpu.memory_space<hbm>>
    %dma_start3A_158 = arith.constant 0 : i32
    %dma_start3A_159 = tpu.memref_slice %arg4[%add3A_155, %dma_start3A_158] : memref<4096x1024xf32, #tpu.memory_space<hbm>> -> memref<16x1024xf32, #tpu.memory_space<hbm>>
    tpu.enqueue_dma source(%arg6 : memref<16x1024xf32, #tpu.memory_space<vmem>>) target(%dma_start3A_159 : memref<16x1024xf32, #tpu.memory_space<hbm>>) target_semaphore(%arg18 : memref<!tpu.dma_semaphore, #tpu.memory_space<semaphore_mem>>)
    %dma_wait3A_160 = arith.constant 112 : i32
    %dma_wait3A_161 = tpu.memref_slice %arg5[%dma_wait3A_160] : memref<128xi32, #tpu.memory_space<vmem>> -> memref<16xi32, #tpu.memory_space<vmem>>
    %dma_wait3A_162 = arith.constant 0 : i32
    %dma_wait3A_163 = arith.constant 0 : i32
    %dma_wait3A_164 = tpu.memref_slice %arg2[%dma_wait3A_162, %dma_wait3A_163] : memref<100000x1024xf32, #tpu.memory_space<hbm>> -> memref<100000x1024xf32, #tpu.memory_space<hbm>>
    tpu.wait_indirect_dma semaphore(%arg13 : memref<!tpu.dma_semaphore, #tpu.memory_space<semaphore_mem>>) src(%dma_wait3A_164 : memref<100000x1024xf32, #tpu.memory_space<hbm>>) dst(%arg7 : memref<16x1024xf32, #tpu.memory_space<vmem>>)
    %add3A_165 = arith.constant 112 : i32
    %add3A_166 = arith.addi %mul3A_36, %add3A_165 : i32
    %dma_start3A_167 = arith.constant 0 : i32
    %dma_start3A_168 = tpu.memref_slice %arg4[%add3A_166, %dma_start3A_167] : memref<4096x1024xf32, #tpu.memory_space<hbm>> -> memref<16x1024xf32, #tpu.memory_space<hbm>>
    %dma_start3A_169 = arith.constant 0 : i32
    %dma_start3A_170 = tpu.memref_slice %arg4[%add3A_166, %dma_start3A_169] : memref<4096x1024xf32, #tpu.memory_space<hbm>> -> memref<16x1024xf32, #tpu.memory_space<hbm>>
    tpu.enqueue_dma source(%arg7 : memref<16x1024xf32, #tpu.memory_space<vmem>>) target(%dma_start3A_170 : memref<16x1024xf32, #tpu.memory_space<hbm>>) target_semaphore(%arg19 : memref<!tpu.dma_semaphore, #tpu.memory_space<semaphore_mem>>)
    %dma_wait3A_171 = arith.constant 0 : i32
    %dma_wait3A_172 = tpu.memref_slice %arg4[%add3A_111, %dma_wait3A_171] : memref<4096x1024xf32, #tpu.memory_space<hbm>> -> memref<16x1024xf32, #tpu.memory_space<hbm>>
    %dma_wait3A_173 = arith.constant 0 : i32
    %dma_wait3A_174 = tpu.memref_slice %arg4[%add3A_111, %dma_wait3A_173] : memref<4096x1024xf32, #tpu.memory_space<hbm>> -> memref<16x1024xf32, #tpu.memory_space<hbm>>
    tpu.wait_dma2 semaphore(%arg20 : memref<!tpu.dma_semaphore, #tpu.memory_space<semaphore_mem>>) src(%arg8 : memref<16x1024xf32, #tpu.memory_space<vmem>>) dst(%dma_wait3A_174 : memref<16x1024xf32, #tpu.memory_space<hbm>>)
    %dma_wait3A_175 = arith.constant 0 : i32
    %dma_wait3A_176 = tpu.memref_slice %arg4[%add3A_122, %dma_wait3A_175] : memref<4096x1024xf32, #tpu.memory_space<hbm>> -> memref<16x1024xf32, #tpu.memory_space<hbm>>
    %dma_wait3A_177 = arith.constant 0 : i32
    %dma_wait3A_178 = tpu.memref_slice %arg4[%add3A_122, %dma_wait3A_177] : memref<4096x1024xf32, #tpu.memory_space<hbm>> -> memref<16x1024xf32, #tpu.memory_space<hbm>>
    tpu.wait_dma2 semaphore(%arg21 : memref<!tpu.dma_semaphore, #tpu.memory_space<semaphore_mem>>) src(%arg9 : memref<16x1024xf32, #tpu.memory_space<vmem>>) dst(%dma_wait3A_178 : memref<16x1024xf32, #tpu.memory_space<hbm>>)
    %dma_wait3A_179 = arith.constant 0 : i32
    %dma_wait3A_180 = tpu.memref_slice %arg4[%add3A_133, %dma_wait3A_179] : memref<4096x1024xf32, #tpu.memory_space<hbm>> -> memref<16x1024xf32, #tpu.memory_space<hbm>>
    %dma_wait3A_181 = arith.constant 0 : i32
    %dma_wait3A_182 = tpu.memref_slice %arg4[%add3A_133, %dma_wait3A_181] : memref<4096x1024xf32, #tpu.memory_space<hbm>> -> memref<16x1024xf32, #tpu.memory_space<hbm>>
    tpu.wait_dma2 semaphore(%arg22 : memref<!tpu.dma_semaphore, #tpu.memory_space<semaphore_mem>>) src(%arg10 : memref<16x1024xf32, #tpu.memory_space<vmem>>) dst(%dma_wait3A_182 : memref<16x1024xf32, #tpu.memory_space<hbm>>)
    %dma_wait3A_183 = arith.constant 0 : i32
    %dma_wait3A_184 = tpu.memref_slice %arg4[%add3A_144, %dma_wait3A_183] : memref<4096x1024xf32, #tpu.memory_space<hbm>> -> memref<16x1024xf32, #tpu.memory_space<hbm>>
    %dma_wait3A_185 = arith.constant 0 : i32
    %dma_wait3A_186 = tpu.memref_slice %arg4[%add3A_144, %dma_wait3A_185] : memref<4096x1024xf32, #tpu.memory_space<hbm>> -> memref<16x1024xf32, #tpu.memory_space<hbm>>
    tpu.wait_dma2 semaphore(%arg23 : memref<!tpu.dma_semaphore, #tpu.memory_space<semaphore_mem>>) src(%arg11 : memref<16x1024xf32, #tpu.memory_space<vmem>>) dst(%dma_wait3A_186 : memref<16x1024xf32, #tpu.memory_space<hbm>>)
    %dma_wait3A_187 = arith.constant 0 : i32
    %dma_wait3A_188 = tpu.memref_slice %arg4[%add3A_155, %dma_wait3A_187] : memref<4096x1024xf32, #tpu.memory_space<hbm>> -> memref<16x1024xf32, #tpu.memory_space<hbm>>
    %dma_wait3A_189 = arith.constant 0 : i32
    %dma_wait3A_190 = tpu.memref_slice %arg4[%add3A_155, %dma_wait3A_189] : memref<4096x1024xf32, #tpu.memory_space<hbm>> -> memref<16x1024xf32, #tpu.memory_space<hbm>>
    tpu.wait_dma2 semaphore(%arg18 : memref<!tpu.dma_semaphore, #tpu.memory_space<semaphore_mem>>) src(%arg6 : memref<16x1024xf32, #tpu.memory_space<vmem>>) dst(%dma_wait3A_190 : memref<16x1024xf32, #tpu.memory_space<hbm>>)
    %dma_wait3A_191 = arith.constant 0 : i32
    %dma_wait3A_192 = tpu.memref_slice %arg4[%add3A_166, %dma_wait3A_191] : memref<4096x1024xf32, #tpu.memory_space<hbm>> -> memref<16x1024xf32, #tpu.memory_space<hbm>>
    %dma_wait3A_193 = arith.constant 0 : i32
    %dma_wait3A_194 = tpu.memref_slice %arg4[%add3A_166, %dma_wait3A_193] : memref<4096x1024xf32, #tpu.memory_space<hbm>> -> memref<16x1024xf32, #tpu.memory_space<hbm>>
    tpu.wait_dma2 semaphore(%arg19 : memref<!tpu.dma_semaphore, #tpu.memory_space<semaphore_mem>>) src(%arg7 : memref<16x1024xf32, #tpu.memory_space<vmem>>) dst(%dma_wait3A_194 : memref<16x1024xf32, #tpu.memory_space<hbm>>)
    return
  }
}

module attributes {stable_mosaic.version = 14 : i64} {
  func.func @rope_slice_1(%arg0: i32, %arg1: memref<512x1024xf32, #tpu.memory_space<vmem>>, %arg2: memref<512x512xbf16, #tpu.memory_space<vmem>>, %arg3: memref<512x512xbf16, #tpu.memory_space<vmem>>, %arg4: memref<8192x1024xf32, #tpu.memory_space<any>>, %arg5: memref<512x1024xf32, #tpu.memory_space<vmem>>) attributes {dimension_semantics = [#tpu.dimension_semantics<arbitrary>], iteration_bounds = array<i64: 4>, scalar_prefetch = 0 : i64, scratch_operands = 0 : i64, tpu.core_type = #tpu.core_type<tc>, window_params = [{transform_indices = @transform_0, window_bounds = array<i64: 512, 1024>}, {transform_indices = @transform_1, window_bounds = array<i64: 512, 512>}, {transform_indices = @transform_2, window_bounds = array<i64: 512, 512>}, {}, {transform_indices = @transform_4, window_bounds = array<i64: 512, 1024>}]} {
    %get3A = arith.constant 0 : index
    %get3A_0 = arith.constant 0 : index
    %get3A_1 = vector.load %arg1[%get3A, %get3A_0] : memref<512x1024xf32, #tpu.memory_space<vmem>>, vector<512x512xf32>
    %get3A_2 = arith.constant 0 : index
    %get3A_3 = arith.constant 512 : index
    %get3A_4 = vector.load %arg1[%get3A_2, %get3A_3] : memref<512x1024xf32, #tpu.memory_space<vmem>>, vector<512x512xf32>
    %get3A_5 = arith.constant 0 : index
    %get3A_6 = arith.constant 0 : index
    %get3A_7 = vector.load %arg2[%get3A_5, %get3A_6] : memref<512x512xbf16, #tpu.memory_space<vmem>>, vector<512x512xbf16>
    %convert_element_type3A = arith.extf %get3A_7 : vector<512x512xbf16> to vector<512x512xf32>
    %get3A_8 = arith.constant 0 : index
    %get3A_9 = arith.constant 0 : index
    %get3A_10 = vector.load %arg3[%get3A_8, %get3A_9] : memref<512x512xbf16, #tpu.memory_space<vmem>>, vector<512x512xbf16>
    %convert_element_type3A_11 = arith.extf %get3A_10 : vector<512x512xbf16> to vector<512x512xf32>
    %mul3A = arith.mulf %get3A_1, %convert_element_type3A_11 : vector<512x512xf32>
    %mul3A_12 = arith.mulf %get3A_4, %convert_element_type3A : vector<512x512xf32>
    %sub3A = arith.subf %mul3A, %mul3A_12 : vector<512x512xf32>
    %swap3A = arith.constant 0 : index
    %swap3A_13 = arith.constant 0 : index
    %swap3A_14 = vector.load %arg5[%swap3A, %swap3A_13] : memref<512x1024xf32, #tpu.memory_space<vmem>>, vector<512x512xf32>
    tpu.vector_store %arg5[%swap3A, %swap3A_13], %sub3A {strides = array<i32>} : memref<512x1024xf32, #tpu.memory_space<vmem>>, vector<512x512xf32>,
    %mul3A_15 = arith.mulf %get3A_1, %convert_element_type3A : vector<512x512xf32>
    %mul3A_16 = arith.mulf %get3A_4, %convert_element_type3A_11 : vector<512x512xf32>
    %add3A = arith.addf %mul3A_15, %mul3A_16 : vector<512x512xf32>
    %swap3A_17 = arith.constant 0 : index
    %swap3A_18 = arith.constant 512 : index
    %swap3A_19 = vector.load %arg5[%swap3A_17, %swap3A_18] : memref<512x1024xf32, #tpu.memory_space<vmem>>, vector<512x512xf32>
    tpu.vector_store %arg5[%swap3A_17, %swap3A_18], %add3A {strides = array<i32>} : memref<512x1024xf32, #tpu.memory_space<vmem>>, vector<512x512xf32>,
    return
  }
  func.func @transform_0(%arg0: i32) -> (i32, i32) {
    %c0_i32 = arith.constant 0 : i32
    %c0_i32_0 = arith.constant 0 : i32
    return %arg0, %c0_i32 : i32, i32
  }
  func.func @transform_1(%arg0: i32) -> (i32, i32) {
    %c2_i32 = arith.constant 2 : i32
    %c0_i32 = arith.constant 0 : i32
    %c0_i32_0 = arith.constant 0 : i32
    return %c2_i32, %c0_i32 : i32, i32
  }
  func.func @transform_2(%arg0: i32) -> (i32, i32) {
    %c2_i32 = arith.constant 2 : i32
    %c0_i32 = arith.constant 0 : i32
    %c0_i32_0 = arith.constant 0 : i32
    return %c2_i32, %c0_i32 : i32, i32
  }
  func.func @transform_4(%arg0: i32) -> (i32, i32) {
    %mul3A = arith.constant 4 : i32
    %mul3A_0 = arith.muli %arg0, %mul3A : i32
    %add3A = arith.constant 2 : i32
    %add3A_1 = arith.addi %mul3A_0, %add3A : i32
    %c0_i32 = arith.constant 0 : i32
    %c0_i32_2 = arith.constant 0 : i32
    return %add3A_1, %c0_i32 : i32, i32
  }
}

module attributes {stable_mosaic.version = 14 : i64} {
  func.func @rope_slice_0(%arg0: i32, %arg1: memref<1024x1024xf32, #tpu.memory_space<vmem>>, %arg2: memref<1024x512xbf16, #tpu.memory_space<vmem>>, %arg3: memref<1024x512xbf16, #tpu.memory_space<vmem>>, %arg4: memref<1024x1024xf32, #tpu.memory_space<vmem>>) attributes {dimension_semantics = [#tpu.dimension_semantics<arbitrary>], iteration_bounds = array<i64: 4>, scalar_prefetch = 0 : i64, scratch_operands = 0 : i64, tpu.core_type = #tpu.core_type<tc>, window_params = [{transform_indices = @transform_0, window_bounds = array<i64: 1024, 1024>}, {transform_indices = @transform_1, window_bounds = array<i64: 1024, 512>}, {transform_indices = @transform_2, window_bounds = array<i64: 1024, 512>}, {transform_indices = @transform_3, window_bounds = array<i64: 1024, 1024>}]} {
    %get3A = arith.constant 0 : index
    %get3A_0 = arith.constant 0 : index
    %get3A_1 = vector.load %arg1[%get3A, %get3A_0] : memref<1024x1024xf32, #tpu.memory_space<vmem>>, vector<1024x512xf32>
    %get3A_2 = arith.constant 0 : index
    %get3A_3 = arith.constant 512 : index
    %get3A_4 = vector.load %arg1[%get3A_2, %get3A_3] : memref<1024x1024xf32, #tpu.memory_space<vmem>>, vector<1024x512xf32>
    %get3A_5 = arith.constant 0 : index
    %get3A_6 = arith.constant 0 : index
    %get3A_7 = vector.load %arg2[%get3A_5, %get3A_6] : memref<1024x512xbf16, #tpu.memory_space<vmem>>, vector<1024x512xbf16>
    %convert_element_type3A = arith.extf %get3A_7 : vector<1024x512xbf16> to vector<1024x512xf32>
    %get3A_8 = arith.constant 0 : index
    %get3A_9 = arith.constant 0 : index
    %get3A_10 = vector.load %arg3[%get3A_8, %get3A_9] : memref<1024x512xbf16, #tpu.memory_space<vmem>>, vector<1024x512xbf16>
    %convert_element_type3A_11 = arith.extf %get3A_10 : vector<1024x512xbf16> to vector<1024x512xf32>
    %mul3A = arith.mulf %get3A_1, %convert_element_type3A_11 : vector<1024x512xf32>
    %mul3A_12 = arith.mulf %get3A_4, %convert_element_type3A : vector<1024x512xf32>
    %sub3A = arith.subf %mul3A, %mul3A_12 : vector<1024x512xf32>
    %swap3A = arith.constant 0 : index
    %swap3A_13 = arith.constant 0 : index
    %swap3A_14 = vector.load %arg4[%swap3A, %swap3A_13] : memref<1024x1024xf32, #tpu.memory_space<vmem>>, vector<1024x512xf32>
    tpu.vector_store %arg4[%swap3A, %swap3A_13], %sub3A {strides = array<i32>} : memref<1024x1024xf32, #tpu.memory_space<vmem>>, vector<1024x512xf32>,
    %mul3A_15 = arith.mulf %get3A_1, %convert_element_type3A : vector<1024x512xf32>
    %mul3A_16 = arith.mulf %get3A_4, %convert_element_type3A_11 : vector<1024x512xf32>
    %add3A = arith.addf %mul3A_15, %mul3A_16 : vector<1024x512xf32>
    %swap3A_17 = arith.constant 0 : index
    %swap3A_18 = arith.constant 512 : index
    %swap3A_19 = vector.load %arg4[%swap3A_17, %swap3A_18] : memref<1024x1024xf32, #tpu.memory_space<vmem>>, vector<1024x512xf32>
    tpu.vector_store %arg4[%swap3A_17, %swap3A_18], %add3A {strides = array<i32>} : memref<1024x1024xf32, #tpu.memory_space<vmem>>, vector<1024x512xf32>,
    return
  }
  func.func @transform_0(%arg0: i32) -> (i32, i32) {
    %c0_i32 = arith.constant 0 : i32
    %c0_i32_0 = arith.constant 0 : i32
    return %arg0, %c0_i32 : i32, i32
  }
  func.func @transform_1(%arg0: i32) -> (i32, i32) {
    %c0_i32 = arith.constant 0 : i32
    %c0_i32_0 = arith.constant 0 : i32
    %c0_i32_1 = arith.constant 0 : i32
    return %c0_i32, %c0_i32_0 : i32, i32
  }
  func.func @transform_2(%arg0: i32) -> (i32, i32) {
    %c0_i32 = arith.constant 0 : i32
    %c0_i32_0 = arith.constant 0 : i32
    %c0_i32_1 = arith.constant 0 : i32
    return %c0_i32, %c0_i32_0 : i32, i32
  }
  func.func @transform_3(%arg0: i32) -> (i32, i32) {
    %mul3A = arith.constant 2 : i32
    %mul3A_0 = arith.muli %arg0, %mul3A : i32
    %add3A = arith.constant 0 : i32
    %add3A_1 = arith.addi %mul3A_0, %add3A : i32
    %c0_i32 = arith.constant 0 : i32
    %c0_i32_2 = arith.constant 0 : i32
    return %add3A_1, %c0_i32 : i32, i32
  }
}

module attributes {stable_mosaic.version = 14 : i64} {
  func.func @rope_slice_2(%arg0: i32, %arg1: memref<512x1024xf32, #tpu.memory_space<vmem>>, %arg2: memref<512x512xbf16, #tpu.memory_space<vmem>>, %arg3: memref<512x512xbf16, #tpu.memory_space<vmem>>, %arg4: memref<8192x1024xf32, #tpu.memory_space<any>>, %arg5: memref<512x1024xf32, #tpu.memory_space<vmem>>) attributes {dimension_semantics = [#tpu.dimension_semantics<arbitrary>], iteration_bounds = array<i64: 4>, scalar_prefetch = 0 : i64, scratch_operands = 0 : i64, tpu.core_type = #tpu.core_type<tc>, window_params = [{transform_indices = @transform_0, window_bounds = array<i64: 512, 1024>}, {transform_indices = @transform_1, window_bounds = array<i64: 512, 512>}, {transform_indices = @transform_2, window_bounds = array<i64: 512, 512>}, {}, {transform_indices = @transform_4, window_bounds = array<i64: 512, 1024>}]} {
    %get3A = arith.constant 0 : index
    %get3A_0 = arith.constant 0 : index
    %get3A_1 = vector.load %arg1[%get3A, %get3A_0] : memref<512x1024xf32, #tpu.memory_space<vmem>>, vector<512x512xf32>
    %get3A_2 = arith.constant 0 : index
    %get3A_3 = arith.constant 512 : index
    %get3A_4 = vector.load %arg1[%get3A_2, %get3A_3] : memref<512x1024xf32, #tpu.memory_space<vmem>>, vector<512x512xf32>
    %get3A_5 = arith.constant 0 : index
    %get3A_6 = arith.constant 0 : index
    %get3A_7 = vector.load %arg2[%get3A_5, %get3A_6] : memref<512x512xbf16, #tpu.memory_space<vmem>>, vector<512x512xbf16>
    %convert_element_type3A = arith.extf %get3A_7 : vector<512x512xbf16> to vector<512x512xf32>
    %get3A_8 = arith.constant 0 : index
    %get3A_9 = arith.constant 0 : index
    %get3A_10 = vector.load %arg3[%get3A_8, %get3A_9] : memref<512x512xbf16, #tpu.memory_space<vmem>>, vector<512x512xbf16>
    %convert_element_type3A_11 = arith.extf %get3A_10 : vector<512x512xbf16> to vector<512x512xf32>
    %mul3A = arith.mulf %get3A_1, %convert_element_type3A_11 : vector<512x512xf32>
    %mul3A_12 = arith.mulf %get3A_4, %convert_element_type3A : vector<512x512xf32>
    %sub3A = arith.subf %mul3A, %mul3A_12 : vector<512x512xf32>
    %swap3A = arith.constant 0 : index
    %swap3A_13 = arith.constant 0 : index
    %swap3A_14 = vector.load %arg5[%swap3A, %swap3A_13] : memref<512x1024xf32, #tpu.memory_space<vmem>>, vector<512x512xf32>
    tpu.vector_store %arg5[%swap3A, %swap3A_13], %sub3A {strides = array<i32>} : memref<512x1024xf32, #tpu.memory_space<vmem>>, vector<512x512xf32>,
    %mul3A_15 = arith.mulf %get3A_1, %convert_element_type3A : vector<512x512xf32>
    %mul3A_16 = arith.mulf %get3A_4, %convert_element_type3A_11 : vector<512x512xf32>
    %add3A = arith.addf %mul3A_15, %mul3A_16 : vector<512x512xf32>
    %swap3A_17 = arith.constant 0 : index
    %swap3A_18 = arith.constant 512 : index
    %swap3A_19 = vector.load %arg5[%swap3A_17, %swap3A_18] : memref<512x1024xf32, #tpu.memory_space<vmem>>, vector<512x512xf32>
    tpu.vector_store %arg5[%swap3A_17, %swap3A_18], %add3A {strides = array<i32>} : memref<512x1024xf32, #tpu.memory_space<vmem>>, vector<512x512xf32>,
    return
  }
  func.func @transform_0(%arg0: i32) -> (i32, i32) {
    %c0_i32 = arith.constant 0 : i32
    %c0_i32_0 = arith.constant 0 : i32
    return %arg0, %c0_i32 : i32, i32
  }
  func.func @transform_1(%arg0: i32) -> (i32, i32) {
    %c3_i32 = arith.constant 3 : i32
    %c0_i32 = arith.constant 0 : i32
    %c0_i32_0 = arith.constant 0 : i32
    return %c3_i32, %c0_i32 : i32, i32
  }
  func.func @transform_2(%arg0: i32) -> (i32, i32) {
    %c3_i32 = arith.constant 3 : i32
    %c0_i32 = arith.constant 0 : i32
    %c0_i32_0 = arith.constant 0 : i32
    return %c3_i32, %c0_i32 : i32, i32
  }
  func.func @transform_4(%arg0: i32) -> (i32, i32) {
    %mul3A = arith.constant 4 : i32
    %mul3A_0 = arith.muli %arg0, %mul3A : i32
    %add3A = arith.constant 3 : i32
    %add3A_1 = arith.addi %mul3A_0, %add3A : i32
    %c0_i32 = arith.constant 0 : i32
    %c0_i32_2 = arith.constant 0 : i32
    return %add3A_1, %c0_i32 : i32, i32
  }
}

</mosaic_0001>

<sc_bundles>
// kernel: kernel.11.cloned.1.call-start
scs
__scs_entry_jumppad:
0x0: {  	(pc) =	sbr.rel $0x88, $3  }
0x1: {  	(tag) =	ssettag $0x0;
	lr =	simm.s32 $0x1  }
0x2: {  	[smem:$0x3F9F] =	sst lr;
	_ =	strace $0xD0000000  }
0x3: {  	_ = 	snop  }
0x4: {  	_ = 	snop  }
0x5: {  	_ = 	snop  }
0x6: {  	_ = 	snop  }
0x7: {  	_ = 	snop  }
__scs_overlays_trampoline_lowered:
0x8: {  	[smem:$0x3FAE] =	sst s0  }
0x9: {  	[smem:$0x3FAF] =	sst s1  }
0xa: {  	[smem:$0x3FB0] =	sst s2  }
0xb: {  	[smem:$0x3FB1] =	sst s3  }
0xc: {  	[smem:$0x3FB2] =	sst s4  }
0xd: {  	[smem:$0x3FB3] =	sst s5  }
0xe: {  	[smem:$0x3FB4] =	sst s6  }
0xf: {  	[smem:$0x3FB5] =	sst s7  }
0x10: {  	[smem:$0x3FB6] =	sst s8  }
0x11: {  	[smem:$0x3FB7] =	sst s9;
	s0 =	simm.s32 @!p0 $0x0  }
0x12: {  	s1 =	sld [smem:$0x3F9D];
	s0 =	simm.s32 @p0 $0x1  }
0x13: {  	[smem:$0x3FB8] =	sst s0;
	s0 =	simm.s32 @!p1 $0x0  }
0x14: {  	s2 =	sld [smem:$0x3F9C];
	s0 =	simm.s32 @p1 $0x1  }
0x15: {  	[smem:$0x3FB9] =	sst s0;
	s0 =	simm.s32 @!p2 $0x0  }
0x16: {  	s3 =	sld [smem:$0x3FDB];
	s0 =	simm.s32 @p2 $0x1  }
0x17: {  	s4 =	simm.s32 $0x1BF5;
	[smem:$0x3FBB] =	sst s0  }
0x18: {  	s0 =	sld [smem:$0x3F9E];
	_ =	swait.ge [sflag:s4], $0x0  }
0x19: {  	s7 =	sld [smem:$0x3F9F]  }
0x1a: {  	s8 =	sadd.s32 $0xFFFFE003, lr  }
0x1b: {  	s9 =	sadd.s32 $0xFFFFFEF7, lr;
	s5 =	simm.s32 $0xFFFFFFFF;
	p2 =	slt.u32 s8, $0xFFFFF086  }
0x1c: {  	p1 =	slt.u32 s9, $0xF7A;
	s5 =	simm.s32 @!p2 $0x0  }
0x1d: {  	s5 =	simm.s32 @p1 $0x1;
	p0 =	seq.s32 s7, s2  }
0x1e: {  	s7 =	smul.u32 @!p0 $0xF7A, s2;
	p2 =	seq.s32 @!p0 s5, $0x0  }
0x1f: {  	s9 =	smul.u32 $0xF7A, s1;
	s8 =	simm.s32 @!p0 $0x1BF5;
	p2 =	por !p2, p0  }
0x20: {  	[sflag:s8] =	ssyncset.s32 @!p0 $0xFFFFF086;
	s6 =	sadd.s32 @!p0 s3, s7;
	s7 =	simm.s32 @!p0 $0x108  }
0x21: {  	s3 =	sadd.s32 s3, s9;
	s6 =	sadd.s32 @!p0 $0x88, s6;
	s7 =	simm.s32 @p2 $0x1082  }
0x22: {  	[simem:s7], [sflag:s8] =	dma.local @!p0 [hbm:s6], $0xF7A  }
0x23: {  	s9 =	sor.u32 $0xD0000000, s2;
	s6 =	simm.s32 $0x108;
	_ =	swait.ge @!p0 [sflag:s8], $0x0  }
0x24: {  	s3 =	sadd.s32 $0x88, s3;
	s6 =	simm.s32 @!p1 $0x1082;
	[sflag:s4] =	ssyncset.s32 $0xFFFFF086  }
0x25: {  	[simem:s6], [sflag:s4] =	dma.local [hbm:s3], $0xF7A  }
0x26: {  	[smem:$0x3F9F] =	sst s1;
	(tag) =	ssettag s2;
	_ =	strace s9  }
0x27: {  	s1 =	sld [smem:$0x3FAF]  }
0x28: {  	s2 =	sld [smem:$0x3FB0]  }
0x29: {  	s4 =	sld [smem:$0x3FB2]  }
0x2a: {  	p0 =	seq.s32 s5, $0x0;
	s5 =	sld [smem:$0x3FB3]  }
0x2b: {  	s6 =	sld [smem:$0x3FB4]  }
0x2c: {  	s7 =	sld [smem:$0x3FB5]  }
0x2d: {  	s3 =	simm.s32 $0x108;
	s8 =	sld [smem:$0x3FB6]  }
0x2e: {  	s3 =	simm.s32 @!p0 $0x1082;
	s9 =	sld [smem:$0x3FB7]  }
0x2f: {  	lr =	sadd.s32 s0, s3;
	s0 =	sld [smem:$0x3FAE]  }
0x30: {  	s3 =	sld [smem:$0x3FB1]  }
0x31: {  	[smem:$0x3FBA] =	sst s10  }
0x32: {  	s10 =	sld [smem:$0x3FB8];
	_ =	sdelay $0x3  }
0x33: {  	p0 =	seq.s32 s10, $0x1;
	s10 =	sld [smem:$0x3FBA];
	_ =	sdelay $0x3  }
0x34: {  	[smem:$0x3FBA] =	sst s10  }
0x35: {  	s10 =	sld [smem:$0x3FB9];
	_ =	sdelay $0x3  }
0x36: {  	p1 =	seq.s32 s10, $0x1;
	s10 =	sld [smem:$0x3FBA];
	_ =	sdelay $0x3  }
0x37: {  	[smem:$0x3FBA] =	sst s10  }
0x38: {  	s10 =	sld [smem:$0x3FBB]  }
0x39: {  	_ = 	snop;
	(pc) =	sbr.ind lr, $3  }
0x3a: {  	_ = 	snop  }
0x3b: {  	_ = 	snop  }
0x3c: {  	p2 =	seq.s32 s10, $0x1;
	s10 =	sld [smem:$0x3FBA]  }
0x3d: {  	_ =	shalt  }
0x3e: {  	_ =	shalt  }
0x3f: {  	_ =	shalt  }
0x40: {  	_ =	shalt  }
0x41: {  	_ =	shalt  }
0x42: {  	_ =	shalt  }
0x43: {  	_ =	shalt  }
0x44: {  	_ =	shalt  }
0x45: {  	_ =	shalt  }
0x46: {  	_ =	shalt  }
0x47: {  	_ =	shalt  }
0x48: {  	_ =	shalt  }
0x49: {  	_ =	shalt  }
0x4a: {  	_ =	shalt  }
0x4b: {  	_ =	shalt  }
0x4c: {  	_ =	shalt  }
0x4d: {  	_ =	shalt  }
0x4e: {  	_ =	shalt  }
0x4f: {  	_ =	shalt  }
0x50: {  	_ =	shalt  }
0x51: {  	_ =	shalt  }
0x52: {  	_ =	shalt  }
0x53: {  	_ =	shalt  }
0x54: {  	_ =	shalt  }
0x55: {  	_ =	shalt  }
0x56: {  	_ =	shalt  }
0x57: {  	_ =	shalt  }
0x58: {  	_ =	shalt  }
0x59: {  	_ =	shalt  }
0x5a: {  	_ =	shalt  }
0x5b: {  	_ =	shalt  }
0x5c: {  	_ =	shalt  }
0x5d: {  	_ =	shalt  }
0x5e: {  	_ =	shalt  }
0x5f: {  	_ =	shalt  }
0x60: {  	_ =	shalt  }
0x61: {  	_ =	shalt  }
0x62: {  	_ =	shalt  }
0x63: {  	_ =	shalt  }
0x64: {  	_ =	shalt  }
0x65: {  	_ =	shalt  }
0x66: {  	_ =	shalt  }
0x67: {  	_ =	shalt  }
0x68: {  	_ =	shalt  }
0x69: {  	_ =	shalt  }
0x6a: {  	_ =	shalt  }
0x6b: {  	_ =	shalt  }
0x6c: {  	_ =	shalt  }
0x6d: {  	_ =	shalt  }
0x6e: {  	_ =	shalt  }
0x6f: {  	_ =	shalt  }
0x70: {  	_ =	shalt  }
0x71: {  	_ =	shalt  }
0x72: {  	_ =	shalt  }
0x73: {  	_ =	shalt  }
0x74: {  	_ =	shalt  }
0x75: {  	_ =	shalt  }
0x76: {  	_ =	shalt  }
0x77: {  	_ =	shalt  }
0x78: {  	_ =	shalt  }
0x79: {  	_ =	shalt  }
0x7a: {  	_ =	shalt  }
0x7b: {  	_ =	shalt  }
0x7c: {  	_ =	shalt  }
0x7d: {  	_ =	shalt  }
0x7e: {  	_ =	shalt  }
0x7f: {  	_ =	shalt  }
0x80: {  	_ =	shalt  }
0x81: {  	_ =	shalt  }
0x82: {  	_ =	shalt  }
0x83: {  	_ =	shalt  }
0x84: {  	_ =	shalt  }
0x85: {  	_ =	shalt  }
0x86: {  	_ =	shalt  }
0x87: {  	_ =	shalt  }
.Lfunc_end0:
.L_simem_size_0:
called_computation.2_lowered:
.L_overlay_start_0:
0x88: {  	s2 =	sld [smem:$0x3FD9]  }
0x89: {  	s3 =	sld [smem:$0x3FFE];
	_ =	sdelay $0x1  }
0x8a: {  	s1 =	srdreg.scid  }
0x8b: {  	s0 =	sand.u32 $0x1, s1  }
0x8c: {  	s17 =	sshll.u32 s0, $0xA;
	s2 =	sadd.s32 s3, s2  }
0x8d: {  	s2 =	sadd.s32 s2, s17  }
0x8e: {  	[smem:$0x3FC6] =	sst s2  }
0x8f: {  	_ = 	snop  }
0x90: {  	s18 =	sld [smem:$0x3FC8];
	(tm) =	ssettm $0x1  }
0x91: {  	s19 =	sld [smem:$0x3FFB];
	_ =	sdelay $0x3  }
0x92: {  	_ =	strace s19  }
0x93: {  	s2 =	sld [smem:$0x3FFC];
	_ =	sdelay $0x3  }
0x94: {  	_ =	strace s2  }
0x95: {  	s2 =	sld [smem:$0x3FFD];
	_ =	sdelay $0x3  }
0x96: {  	_ =	strace s2  }
0x97: {  	_ =	strace $0x8FFFFFFF  }
0x98: {  	s20 =	sld [smem:$0x3FDB];
	_ =	sdelay $0x1  }
0x99: {  	s4 =	simm.s32 $_scs_section_size  }
0x9a: {  	s5 =	simm.s32 $_size__tile_overlayer_lowered;
	s6 =	simm.s32 $_tile_overlayer_lowered  }
0x9b: {  	s7 =	simm.s32 $0x1BFF;
	s21 =	sshll.u32 s6, $0x1;
	s4 =	sadd.s32 s4, s20  }
0x9c: {  	s22 =	simm.s32 $0x0;
	s5 =	sshll.u32 s5, $0x1;
	s6 =	sadd.s32 s21, s4  }
0x9d: {  	[timem:s22], [sflag:s7] =	dma.local [hbm:s6], s5  }
0x9e: {  	_ =	swait.ge [sflag:s7], s5  }
0x9f: {  	s5 =	ssub.s32 $0x0, s5;
	[sflag:s7] =	ssyncset.done $0x0  }
0xa0: {  	[sflag:s7] =	ssyncadd.s32 s5;
	_ =	sdelay $0x1  }
0xa1: {  	s23 =	simm.s32 $0x1B8B  }
0xa2: {  	_ =	swait.ge [sflag:s23], $0x1  }
0xa3: {  	[sflag:s23] =	ssyncset.done $0x0  }
0xa4: {  	[sflag:s23] =	ssyncadd.s32 $0xFFFFFFFF  }
0xa5: {  	s5 =	sld [smem:$0x0]  }
0xa6: {  	s6 =	sand.u32 $0xFFFFFFFE, s1  }
0xa7: {  	p0 =	sne.s32 s1, s6  }
0xa8: {  	s6 =	sshll.u32 @p0 s6, $0xE  }
0xa9: {  	s6 =	sadd.s32 @p0 $0x11B8D, s6;
	s7 =	sshll.u32 @p0 s5, $0x11  }
0xaa: {  	s6 =	sor.u32 @p0 s7, s6  }
0xab: {  	[sflag:s6] =	ssyncadd.remote.s32 @p0 $0x1;
	_ =	sdelay $0x1  }
0xac: {  	s6 =	simm.s32 @p0 $0x1B8D  }
0xad: {  	_ =	swait.eq @p0 [sflag:s6], $0x1  }
0xae: {  	[sflag:s6] =	ssyncadd.s32 @p0 $0xFFFFFFFF  }
0xaf: {  	s7 =	sshll.u32 @!p0 s1, $0xE  }
0xb0: {  	s7 =	sor.u32 @!p0 $0x4000, s7;
	s6 =	simm.s32 @!p0 $0x1B8D  }
0xb1: {  	s5 =	sshll.u32 @!p0 s5, $0x11;
	s7 =	sadd.s32 @!p0 $0x11B8D, s7;
	_ =	swait.eq @!p0 [sflag:s6], $0x1  }
0xb2: {  	s5 =	sor.u32 @!p0 s5, s7;
	[sflag:s6] =	ssyncadd.s32 @!p0 $0xFFFFFFFF  }
0xb3: {  	s25 =	simm.s32 $0x1B8E;
	s24 =	sld [smem:$0x3FFE];
	[sflag:s5] =	ssyncadd.remote.s32 @!p0 $0x1  }
0xb4: {  	s26 =	simm.s32 $execute0_lowered;
	[smem:$0x3FD2] =	sst s25  }
0xb5: {  	s6 =	sshll.u32 s26, $0x1;
	_ =	strace $0x8000004C;
	[dreg:$0x1] =	wrdreg $0xFFFFFFFF  }
0xb6: {  	s28 =	simm.s32 $_size_execute0_lowered;
	s4 =	sadd.s32 s4, s6;
	[dreg:$0x0] =	wrdreg $0x0  }
0xb7: {  	s6 =	sshll.u32 s28, $0x1;
	[dreg:$0x2] =	wrdreg s4  }
0xb8: {  	[dreg:$0x3] =	wrdreg s6  }
0xb9: {  	[dreg:$0x4] =	wrdreg $0xC0  }
0xba: {  	_ =	task [dreg:s22], $0x5FFFF  }
0xbb: {  	[dreg:$0x1] =	wrdreg $0xFFFFFFFF  }
0xbc: {  	[dreg:$0x0] =	wrdreg $0x60  }
0xbd: {  	[dreg:$0x2] =	wrdreg s18  }
0xbe: {  	[dreg:$0x3] =	wrdreg s24  }
0xbf: {  	[dreg:$0x4] =	wrdreg $0xB  }
0xc0: {  	_ =	task.clear_ibuf [dreg:s22], $0x5FFFF;
	_ =	strace $0x9000004C  }
0xc1: {  	s29 =	simm.s32 $0xB;
	_ =	strace $0x8000004E  }
0xc2: {  	_ =	swait.ge [sflag:s29], $0x1  }
0xc3: {  	[sflag:s29] =	ssyncadd.s32 $0xFFFFFFFF  }
0xc4: {  	_ =	strace $0x9000004E  }
0xc5: {  	_ =	sfence  }
0xc6: {  	s30 =	sld [smem:$0x0];
	_ =	sdelay $0x2  }
0xc7: {  	s31 =	sshll.u32 s1, $0xD;
	s1 =	sshrl.u32 s1, $0x2  }
0xc8: {  	s4 =	sand.u32 $0x4000, s31;
	s1 =	sadd.s32 s1, s30  }
0xc9: {  	s0 =	sor.u32 s4, s0;
	s1 =	sshll.u32 s1, $0x11  }
0xca: {  	s0 =	sor.u32 s1, s0  }
0xcb: {  	s0 =	sadd.s32 $0x8F2B, s0  }
0xcc: {  	[sflag:s0] =	ssyncadd.remote.s32 $0x1  }
0xcd: {  	_ =	sfence.sel $0xFFFF  }
0xce: {  	[dreg:$0x0] =	wrdreg $0xFFFFFFFF;
	(pc) =	sbr.abs _section_cstart, $3  }
0xcf: {  	[dreg:$0x1] =	wrdreg $0xFFFFFFFF  }
0xd0: {  	_ =	task.clear_ibuf [dreg:s22], $0x2FFFF;
	_ =	strace $0x9FFFFFFF  }
0xd1: {  	(tm) =	ssettm $0x7FFFFFFF  }
tec
execute0_lowered:
.L_overlay_start_1:
0x0: {  	(tag) =	ssettag $0x1  }
0x1: {  	s1 =	srdreg.scid;
	s0 =	stileid.u32  }
0x2: {  	s2 =	rddreg [dreg:$0x0];
	s1 =	sand.u32 $0x1, s1;
	s3 =	sshll.u32 s0, $0x1  }
0x3: {  	s4 =	rddreg [dreg:$0x1];
	s5 =	sor.u32 s1, s3;
	s3 =	simm.s32 $0x0  }
0x4: {  	s11 =	simm.s32 $0xA00;
	[smem:$0x7FF] =	sst s3  }
0x5: {  	s12 =	simm.s32 $0x1200;
	_ =	strace $0x8000004D;
	[dreg:$0x8] =	wrdreg s11  }
0x6: {  	s13 =	simm.s32 $0x1A00;
	s14 =	simm.s32 $0x2200;
	[dreg:$0x9] =	wrdreg s12  }
0x7: {  	s15 =	simm.s32 $0x2A00;
	s16 =	simm.s32 $0x3200;
	[dreg:$0xa] =	wrdreg s13  }
0x8: {  	s17 =	simm.s32 $0x3A00;
	s19 =	simm.s32 $0x4A00;
	[dreg:$0xb] =	wrdreg s14  }
0x9: {  	s20 =	simm.s32 $0x5200;
	s21 =	simm.s32 $0x5A00;
	[dreg:$0xc] =	wrdreg s15  }
0xa: {  	s22 =	simm.s32 $0x7200;
	s23 =	simm.s32 $0x7A00;
	[dreg:$0xd] =	wrdreg s16  }
0xb: {  	s24 =	simm.s32 $0x8A00;
	s25 =	simm.s32 $0x9200;
	[dreg:$0xe] =	wrdreg s17  }
0xc: {  	s26 =	simm.s32 $0x9A00;
	s28 =	simm.s32 $0x4;
	[dreg:$0xf] =	wrdreg s19  }
0xd: {  	s29 =	simm.s32 $0x5;
	s30 =	simm.s32 $0x6;
	[dreg:$0x10] =	wrdreg s20  }
0xe: {  	s31 =	simm.s32 $0x7;
	s1 =	ssub.s32 $0x2, s1;
	[dreg:$0x11] =	wrdreg s21  }
0xf: {  	s6 =	sshll.u32 s5, $0x6;
	s5 =	sshll.u32 s5, $0xD;
	[dreg:$0x14] =	wrdreg s22  }
0x10: {  	s18 =	sshrl.u32 s1, $0x1;
	s6 =	sadd.s32 s6, s4;
	[dreg:$0x15] =	wrdreg s23  }
0x11: {  	s4 =	sadd.s32 s5, s4;
	s1 =	ssub.s32 s1, s18;
	[dreg:$0x16] =	wrdreg s24  }
0x12: {  	s5 =	sadd.s32 $0x200, s2;
	s11 =	simm.s32 $0x8200;
	[dreg:$0x17] =	wrdreg s25  }
0x13: {  	[dreg:$0x18] =	wrdreg s26;
	s13 =	simm.s32 $0xAA00;
	s14 =	simm.s32 $0xB200  }
0x14: {  	s15 =	simm.s32 $0xBA00;
	s16 =	simm.s32 $0xC200;
	s17 =	simm.s32 $0xCA00  }
0x15: {  	s18 =	simm.s32 $0xD200;
	s19 =	simm.s32 $0xDA00;
	s20 =	simm.s32 $0xE200  }
0x16: {  	s21 =	simm.s32 $0xEA00;
	s22 =	simm.s32 $0xF200;
	s7 =	sadd.s32 $0x42600, s6  }
0x17: {  	s23 =	simm.s32 $0xFA00;
	s8 =	sadd.s32 $0x42E00, s4;
	[dreg:$0x3] =	wrdreg s7  }
0x18: {  	s24 =	simm.s32 $0x1;
	s9 =	sadd.s32 $0x43600, s4;
	[dreg:$0x4] =	wrdreg s8  }
0x19: {  	s25 =	simm.s32 $0x2;
	s10 =	sadd.s32 $0x43E00, s4;
	[dreg:$0x5] =	wrdreg s9  }
0x1a: {  	s26 =	simm.s32 $0x3;
	s4 =	sadd.s32 $0x44600, s4;
	[dreg:$0x6] =	wrdreg s10  }
0x1b: {  	s6 =	sadd.s32 $0x300, s2;
	[dreg:$0x7] =	wrdreg s4;
	s4 =	sadd.s32 $0x100, s2  }
0x1c: {  	v2 =	vlaneseq.u32;
	s7 =	simm.s32 $0x6200;
	s8 =	simm.s32 $0x6A00;
	s9 =	simm.s32 $0x200  }
0x1d: {  	vm0 =	vmmov $0xffff;
	v1 =	vshrl.u32 v2, $0x3;
	s10 =	simm.s32 $0x4200;
	[dreg:$0x12] =	wrdreg s7;
	s7 =	smax.u32 s1, $0x1  }
0x1e: {  	v0 =	vand.u32 $0x7, v2;
	v2 =	vor.u32 $0x8, v2;
	v1 =	vmul.u32 $0x8, v1;
	[dreg:$0x13] =	wrdreg s8;
	s8 =	simm.s32 $0x9;
	s1 =	simm.s32 $0x8  }
.LBB2_1:
0x1f: {  	s0 =	rddreg [dreg:$0x3]  }
0x20: {  	[tilespmem:s3], [sflag:$0x9] =	stream.linear.gather [hbm4b:s0+s3], $0x200, $0x38;
	[tilespmem:$0x10200] =	vst v63  }
0x21: {  	_ =	swait.ge [sflag:s8], $0x200  }
0x22: {  	[sflag:s8] =	ssyncset.done $0x0  }
0x23: {  	[sflag:s8] =	ssyncadd.s32 $0xFFFFFE00  }
0x24: {  	v3 =	vld [tilespmem:$0x0];
	_ =	sdelay $0x4  }
0x25: {  	v4 =	vshll.u32 v3, $0x3  }
0x26: {  	v3 =	vand.u32 $0x7, v3;
	v4 =	vand.u32 $0xFFFFFFC0, v4  }
0x27: {  	v3 =	vor.u32 v3, v4  }
0x28: {  	v4 =	vperm.xlane v3, v0;
	_ =	sdelay $0x1  }
0x29: {  	v4 =	vadd.s32 v1, v4;
	_ =	sdelay $0x4  }
0x2a: {  	[tilespmem:s9], [sflag:$0x1] =	stream.indirect_vreg.gather [hbm4b:s2+s3], $0x80, v4, vm0, $0xb8;
	[tilespmem:$0x10200] =	vst v63  }
0x2b: {  	s0 =	rddreg [dreg:$0x8];
	v3 =	vperm.xlane v3, v2  }
0x2c: {  	[tilespmem:s0], [sflag:$0x1] =	stream.indirect_vreg.gather [hbm4b:s4+s3], $0x80, v4, vm0, $0xb8;
	[tilespmem:$0x10200] =	vst v63  }
0x2d: {  	s12 =	rddreg [dreg:$0x9];
	v3 =	vadd.s32 v1, v3  }
0x2e: {  	[tilespmem:s12], [sflag:$0x1] =	stream.indirect_vreg.gather [hbm4b:s5+s3], $0x80, v4, vm0, $0xb8;
	[tilespmem:$0x10200] =	vst v63  }
0x2f: {  	s0 =	rddreg [dreg:$0xa]  }
0x30: {  	[tilespmem:s0], [sflag:$0x1] =	stream.indirect_vreg.gather [hbm4b:s6+s3], $0x80, v4, vm0, $0xb8;
	[tilespmem:$0x10200] =	vst v63  }
0x31: {  	s12 =	rddreg [dreg:$0xb]  }
0x32: {  	[tilespmem:s12], [sflag:$0x1] =	stream.indirect_vreg.gather [hbm4b:s2+s3], $0x80, v3, vm0, $0xb8;
	[tilespmem:$0x10200] =	vst v63  }
0x33: {  	s0 =	rddreg [dreg:$0xc]  }
0x34: {  	[tilespmem:s0], [sflag:$0x1] =	stream.indirect_vreg.gather [hbm4b:s4+s3], $0x80, v3, vm0, $0xb8;
	[tilespmem:$0x10200] =	vst v63  }
0x35: {  	s12 =	rddreg [dreg:$0xd]  }
0x36: {  	[tilespmem:s12], [sflag:$0x1] =	stream.indirect_vreg.gather [hbm4b:s5+s3], $0x80, v3, vm0, $0xb8;
	[tilespmem:$0x10200] =	vst v63  }
0x37: {  	s0 =	rddreg [dreg:$0xe]  }
0x38: {  	[tilespmem:s0], [sflag:$0x1] =	stream.indirect_vreg.gather [hbm4b:s6+s3], $0x80, v3, vm0, $0xb8;
	[tilespmem:$0x10200] =	vst v63  }
0x39: {  	v3 =	vld [tilespmem:$0x80];
	_ =	sdelay $0x4  }
0x3a: {  	v61 =	vshll.u32 v3, $0x3  }
0x3b: {  	v3 =	vand.u32 $0x7, v3;
	v4 =	vand.u32 $0xFFFFFFC0, v61  }
0x3c: {  	v3 =	vor.u32 v3, v4  }
0x3d: {  	v4 =	vperm.xlane v3, v0;
	_ =	sdelay $0x1  }
0x3e: {  	v4 =	vadd.s32 v1, v4;
	_ =	sdelay $0x4  }
0x3f: {  	[tilespmem:s10], [sflag:$0x2] =	stream.indirect_vreg.gather [hbm4b:s2+s3], $0x80, v4, vm0, $0xb8;
	[tilespmem:$0x10200] =	vst v63  }
0x40: {  	s0 =	rddreg [dreg:$0xf];
	v3 =	vperm.xlane v3, v2  }
0x41: {  	[tilespmem:s0], [sflag:$0x2] =	stream.indirect_vreg.gather [hbm4b:s4+s3], $0x80, v4, vm0, $0xb8;
	[tilespmem:$0x10200] =	vst v63  }
0x42: {  	s12 =	rddreg [dreg:$0x10];
	v3 =	vadd.s32 v1, v3  }
0x43: {  	[tilespmem:s12], [sflag:$0x2] =	stream.indirect_vreg.gather [hbm4b:s5+s3], $0x80, v4, vm0, $0xb8;
	[tilespmem:$0x10200] =	vst v63  }
0x44: {  	s0 =	rddreg [dreg:$0x11]  }
0x45: {  	[tilespmem:s0], [sflag:$0x2] =	stream.indirect_vreg.gather [hbm4b:s6+s3], $0x80, v4, vm0, $0xb8;
	[tilespmem:$0x10200] =	vst v63  }
0x46: {  	s12 =	rddreg [dreg:$0x12]  }
0x47: {  	[tilespmem:s12], [sflag:$0x2] =	stream.indirect_vreg.gather [hbm4b:s2+s3], $0x80, v3, vm0, $0xb8;
	[tilespmem:$0x10200] =	vst v63  }
0x48: {  	s0 =	rddreg [dreg:$0x13]  }
0x49: {  	[tilespmem:s0], [sflag:$0x2] =	stream.indirect_vreg.gather [hbm4b:s4+s3], $0x80, v3, vm0, $0xb8;
	[tilespmem:$0x10200] =	vst v63  }
0x4a: {  	s12 =	rddreg [dreg:$0x14]  }
0x4b: {  	[tilespmem:s12], [sflag:$0x2] =	stream.indirect_vreg.gather [hbm4b:s5+s3], $0x80, v3, vm0, $0xb8;
	[tilespmem:$0x10200] =	vst v63  }
0x4c: {  	s0 =	rddreg [dreg:$0x15]  }
0x4d: {  	[tilespmem:s0], [sflag:$0x2] =	stream.indirect_vreg.gather [hbm4b:s6+s3], $0x80, v3, vm0, $0xb8;
	[tilespmem:$0x10200] =	vst v63  }
0x4e: {  	v3 =	vld [tilespmem:$0x100];
	_ =	sdelay $0x4  }
0x4f: {  	v62 =	vshll.u32 v3, $0x3  }
0x50: {  	v3 =	vand.u32 $0x7, v3;
	v4 =	vand.u32 $0xFFFFFFC0, v62  }
0x51: {  	v3 =	vor.u32 v3, v4  }
0x52: {  	v4 =	vperm.xlane v3, v0;
	_ =	sdelay $0x1  }
0x53: {  	v4 =	vadd.s32 v1, v4;
	_ =	sdelay $0x4  }
0x54: {  	[tilespmem:s11], [sflag:$0x3] =	stream.indirect_vreg.gather [hbm4b:s2+s3], $0x80, v4, vm0, $0xb8;
	[tilespmem:$0x10200] =	vst v63  }
0x55: {  	s0 =	rddreg [dreg:$0x16];
	v3 =	vperm.xlane v3, v2  }
0x56: {  	[tilespmem:s0], [sflag:$0x3] =	stream.indirect_vreg.gather [hbm4b:s4+s3], $0x80, v4, vm0, $0xb8;
	[tilespmem:$0x10200] =	vst v63  }
0x57: {  	s12 =	rddreg [dreg:$0x17];
	v3 =	vadd.s32 v1, v3  }
0x58: {  	[tilespmem:s12], [sflag:$0x3] =	stream.indirect_vreg.gather [hbm4b:s5+s3], $0x80, v4, vm0, $0xb8;
	[tilespmem:$0x10200] =	vst v63  }
0x59: {  	s0 =	rddreg [dreg:$0x18]  }
0x5a: {  	[tilespmem:s0], [sflag:$0x3] =	stream.indirect_vreg.gather [hbm4b:s6+s3], $0x80, v4, vm0, $0xb8;
	[tilespmem:$0x10200] =	vst v63  }
0x5b: {  	s12 =	simm.s32 $0xA200  }
0x5c: {  	[tilespmem:s12], [sflag:$0x3] =	stream.indirect_vreg.gather [hbm4b:s2+s3], $0x80, v3, vm0, $0xb8;
	[tilespmem:$0x10200] =	vst v63  }
0x5d: {  	_ = 	snop  }
0x5e: {  	[tilespmem:s13], [sflag:$0x3] =	stream.indirect_vreg.gather [hbm4b:s4+s3], $0x80, v3, vm0, $0xb8;
	[tilespmem:$0x10200] =	vst v63  }
0x5f: {  	_ = 	snop  }
0x60: {  	[tilespmem:s14], [sflag:$0x3] =	stream.indirect_vreg.gather [hbm4b:s5+s3], $0x80, v3, vm0, $0xb8;
	[tilespmem:$0x10200] =	vst v63  }
0x61: {  	_ = 	snop  }
0x62: {  	[tilespmem:s15], [sflag:$0x3] =	stream.indirect_vreg.gather [hbm4b:s6+s3], $0x80, v3, vm0, $0xb8;
	[tilespmem:$0x10200] =	vst v63  }
0x63: {  	v3 =	vld [tilespmem:$0x180];
	_ =	sdelay $0x4  }
0x64: {  	v63 =	vshll.u32 v3, $0x3  }
0x65: {  	v3 =	vand.u32 $0x7, v3;
	v4 =	vand.u32 $0xFFFFFFC0, v63  }
0x66: {  	v3 =	vor.u32 v3, v4  }
0x67: {  	v4 =	vperm.xlane v3, v0;
	_ =	sdelay $0x1  }
0x68: {  	v4 =	vadd.s32 v1, v4;
	_ =	sdelay $0x4  }
0x69: {  	[tilespmem:s16], [sflag:$0x4] =	stream.indirect_vreg.gather [hbm4b:s2+s3], $0x80, v4, vm0, $0xb8;
	[tilespmem:$0x10200] =	vst v63  }
0x6a: {  	v3 =	vperm.xlane v3, v2  }
0x6b: {  	[tilespmem:s17], [sflag:$0x4] =	stream.indirect_vreg.gather [hbm4b:s4+s3], $0x80, v4, vm0, $0xb8;
	[tilespmem:$0x10200] =	vst v63  }
0x6c: {  	v3 =	vadd.s32 v1, v3  }
0x6d: {  	[tilespmem:s18], [sflag:$0x4] =	stream.indirect_vreg.gather [hbm4b:s5+s3], $0x80, v4, vm0, $0xb8;
	[tilespmem:$0x10200] =	vst v63  }
0x6e: {  	_ = 	snop  }
0x6f: {  	[tilespmem:s19], [sflag:$0x4] =	stream.indirect_vreg.gather [hbm4b:s6+s3], $0x80, v4, vm0, $0xb8;
	[tilespmem:$0x10200] =	vst v63  }
0x70: {  	_ = 	snop  }
0x71: {  	[tilespmem:s20], [sflag:$0x4] =	stream.indirect_vreg.gather [hbm4b:s2+s3], $0x80, v3, vm0, $0xb8;
	[tilespmem:$0x10200] =	vst v63  }
0x72: {  	_ = 	snop  }
0x73: {  	[tilespmem:s21], [sflag:$0x4] =	stream.indirect_vreg.gather [hbm4b:s4+s3], $0x80, v3, vm0, $0xb8;
	[tilespmem:$0x10200] =	vst v63  }
0x74: {  	_ = 	snop  }
0x75: {  	[tilespmem:s22], [sflag:$0x4] =	stream.indirect_vreg.gather [hbm4b:s5+s3], $0x80, v3, vm0, $0xb8;
	[tilespmem:$0x10200] =	vst v63  }
0x76: {  	_ = 	snop  }
0x77: {  	[tilespmem:s23], [sflag:$0x4] =	stream.indirect_vreg.gather [hbm4b:s6+s3], $0x80, v3, vm0, $0xb8;
	[tilespmem:$0x10200] =	vst v63  }
0x78: {  	_ =	swait.ge [sflag:s24], $0x4000  }
0x79: {  	[sflag:s24] =	ssyncset.done $0x0  }
0x7a: {  	s12 =	rddreg [dreg:$0x4];
	[sflag:s24] =	ssyncadd.s32 $0xFFFFC000  }
0x7b: {  	[hbm4b:s12+s3] =	stream.linear.scatter [tilespmem:s9], [sflag:$0x5], $0x4000, $0x38;
	[tilespmem:$0x10200] =	vst v63  }
0x7c: {  	_ =	swait.ge [sflag:s25], $0x4000  }
0x7d: {  	[sflag:s25] =	ssyncset.done $0x0  }
0x7e: {  	s12 =	rddreg [dreg:$0x5];
	[sflag:s25] =	ssyncadd.s32 $0xFFFFC000  }
0x7f: {  	[hbm4b:s12+s3] =	stream.linear.scatter [tilespmem:s10], [sflag:$0x6], $0x4000, $0x38;
	[tilespmem:$0x10200] =	vst v63  }
0x80: {  	_ =	swait.ge [sflag:s26], $0x4000  }
0x81: {  	[sflag:s26] =	ssyncset.done $0x0  }
0x82: {  	s12 =	rddreg [dreg:$0x6];
	[sflag:s26] =	ssyncadd.s32 $0xFFFFC000  }
0x83: {  	[hbm4b:s12+s3] =	stream.linear.scatter [tilespmem:s11], [sflag:$0x7], $0x4000, $0x38;
	[tilespmem:$0x10200] =	vst v63  }
0x84: {  	_ =	swait.ge [sflag:s28], $0x4000  }
0x85: {  	[sflag:s28] =	ssyncset.done $0x0  }
0x86: {  	s12 =	rddreg [dreg:$0x7];
	[sflag:s28] =	ssyncadd.s32 $0xFFFFC000  }
0x87: {  	[hbm4b:s12+s3] =	stream.linear.scatter [tilespmem:s16], [sflag:$0x8], $0x4000, $0x38;
	[tilespmem:$0x10200] =	vst v63  }
0x88: {  	_ =	swait.ge [sflag:s29], $0x4000  }
0x89: {  	[sflag:s29] =	ssyncset.done $0x0  }
0x8a: {  	[sflag:s29] =	ssyncadd.s32 $0xFFFFC000  }
0x8b: {  	_ =	swait.ge [sflag:s30], $0x4000  }
0x8c: {  	[sflag:s30] =	ssyncset.done $0x0  }
0x8d: {  	[sflag:s30] =	ssyncadd.s32 $0xFFFFC000  }
0x8e: {  	p0 =	sne.s32 s7, $0x1;
	_ =	swait.ge [sflag:s31], $0x4000  }
.Ltmp0:
0x8f: {  	[sflag:s31] =	ssyncset.done $0x0;
	(pc) =	sbr.rel @p0 .LBB2_1-.Ltmp0, $4  }
0x90: {  	[sflag:s31] =	ssyncadd.s32 $0xFFFFC000  }
0x91: {  	_ =	swait.ge [sflag:s1], $0x4000  }
0x92: {  	[sflag:s1] =	ssyncset.done $0x0  }
0x93: {  	s7 =	sadd.s32 $0xFFFFFFFF, s7;
	[sflag:s1] =	ssyncadd.s32 $0xFFFFC000  }
0x94: {  	_ =	sfence.sel $0x180000  }
0x95: {  	[bflag:$0x0] =	sbarrier.arrive $0xFFFF  }
0x96: {  	_ =	strace $0x9000004D  }
0x97: {  	s0 =	stileid.u32;
	[bflag:$0x2] =	sbarrier.arrive $0xFFFF  }
0x98: {  	p0 =	sne.s32 s0, $0x0;
	s0 =	rddreg [dreg:$0x2]  }
0x99: {  	s0 =	sadd.s32 @!p0 $0x100000, s0  }
0x9a: {  	[sflag:s0] =	ssyncadd.tile.s32 @!p0 $0x1;
	_ =	shalt  }
.Lfunc_end2:
_tile_overlayer_lowered:
.L_overlay_start_2:
0x9b: {  	(tag) =	ssettag $0x2  }
0x9c: {  	s0 =	rddreg [dreg:$0x0];
	s2 =	stileid.u32  }
0x9d: {  	s1 =	rddreg [dreg:$0x1];
	p0 =	sne.s32 s2, $0x0  }
0x9e: {  	s3 =	rddreg [dreg:$0x2];
	[bflag:$0x3] =	sbarrier.arrive $0xFFFF;
	s2 =	simm.s32 @!p0 $0x1C09  }
0x9f: {  	[timem:s3], [sflag:s2] =	dma.local @!p0 [hbm:s0], s1  }
0xa0: {  	s0 =	simm.s32 @!p0 $0x9  }
0xa1: {  	_ =	swait.ge @!p0 [sflag:s0], s1  }
0xa2: {  	s1 =	ssub.s32 @!p0 $0x0, s1;
	[sflag:s0] =	ssyncset.done @!p0 $0x0  }
0xa3: {  	[sflag:s0] =	ssyncadd.s32 @!p0 s1  }
0xa4: {  	[bflag:$0x3] =	sbarrier.arrive $0xFFFF  }
0xa5: {  	_ =	shalt  }

// kernel: kernel.5.cloned.1.call-start
scs
__scs_entry_jumppad:
0x0: {  	(pc) =	sbr.rel $0x88, $3  }
0x1: {  	(tag) =	ssettag $0x0;
	lr =	simm.s32 $0x1  }
0x2: {  	[smem:$0x3F9F] =	sst lr;
	_ =	strace $0xD0000000  }
0x3: {  	_ = 	snop  }
0x4: {  	_ = 	snop  }
0x5: {  	_ = 	snop  }
0x6: {  	_ = 	snop  }
0x7: {  	_ = 	snop  }
__scs_overlays_trampoline_lowered:
0x8: {  	[smem:$0x3FAE] =	sst s0  }
0x9: {  	[smem:$0x3FAF] =	sst s1  }
0xa: {  	[smem:$0x3FB0] =	sst s2  }
0xb: {  	[smem:$0x3FB1] =	sst s3  }
0xc: {  	[smem:$0x3FB2] =	sst s4  }
0xd: {  	[smem:$0x3FB3] =	sst s5  }
0xe: {  	[smem:$0x3FB4] =	sst s6  }
0xf: {  	[smem:$0x3FB5] =	sst s7  }
0x10: {  	[smem:$0x3FB6] =	sst s8  }
0x11: {  	[smem:$0x3FB7] =	sst s9;
	s0 =	simm.s32 @!p0 $0x0  }
0x12: {  	s1 =	sld [smem:$0x3F9D];
	s0 =	simm.s32 @p0 $0x1  }
0x13: {  	[smem:$0x3FB8] =	sst s0;
	s0 =	simm.s32 @!p1 $0x0  }
0x14: {  	s2 =	sld [smem:$0x3F9C];
	s0 =	simm.s32 @p1 $0x1  }
0x15: {  	[smem:$0x3FB9] =	sst s0;
	s0 =	simm.s32 @!p2 $0x0  }
0x16: {  	s3 =	sld [smem:$0x3FDB];
	s0 =	simm.s32 @p2 $0x1  }
0x17: {  	s4 =	simm.s32 $0x1BF5;
	[smem:$0x3FBB] =	sst s0  }
0x18: {  	s0 =	sld [smem:$0x3F9E];
	_ =	swait.ge [sflag:s4], $0x0  }
0x19: {  	s7 =	sld [smem:$0x3F9F]  }
0x1a: {  	s8 =	sadd.s32 $0xFFFFE003, lr  }
0x1b: {  	s9 =	sadd.s32 $0xFFFFFEF7, lr;
	s5 =	simm.s32 $0xFFFFFFFF;
	p2 =	slt.u32 s8, $0xFFFFF086  }
0x1c: {  	p1 =	slt.u32 s9, $0xF7A;
	s5 =	simm.s32 @!p2 $0x0  }
0x1d: {  	s5 =	simm.s32 @p1 $0x1;
	p0 =	seq.s32 s7, s2  }
0x1e: {  	s7 =	smul.u32 @!p0 $0xF7A, s2;
	p2 =	seq.s32 @!p0 s5, $0x0  }
0x1f: {  	s9 =	smul.u32 $0xF7A, s1;
	s8 =	simm.s32 @!p0 $0x1BF5;
	p2 =	por !p2, p0  }
0x20: {  	[sflag:s8] =	ssyncset.s32 @!p0 $0xFFFFF086;
	s6 =	sadd.s32 @!p0 s3, s7;
	s7 =	simm.s32 @!p0 $0x108  }
0x21: {  	s3 =	sadd.s32 s3, s9;
	s6 =	sadd.s32 @!p0 $0x88, s6;
	s7 =	simm.s32 @p2 $0x1082  }
0x22: {  	[simem:s7], [sflag:s8] =	dma.local @!p0 [hbm:s6], $0xF7A  }
0x23: {  	s9 =	sor.u32 $0xD0000000, s2;
	s6 =	simm.s32 $0x108;
	_ =	swait.ge @!p0 [sflag:s8], $0x0  }
0x24: {  	s3 =	sadd.s32 $0x88, s3;
	s6 =	simm.s32 @!p1 $0x1082;
	[sflag:s4] =	ssyncset.s32 $0xFFFFF086  }
0x25: {  	[simem:s6], [sflag:s4] =	dma.local [hbm:s3], $0xF7A  }
0x26: {  	[smem:$0x3F9F] =	sst s1;
	(tag) =	ssettag s2;
	_ =	strace s9  }
0x27: {  	s1 =	sld [smem:$0x3FAF]  }
0x28: {  	s2 =	sld [smem:$0x3FB0]  }
0x29: {  	s4 =	sld [smem:$0x3FB2]  }
0x2a: {  	p0 =	seq.s32 s5, $0x0;
	s5 =	sld [smem:$0x3FB3]  }
0x2b: {  	s6 =	sld [smem:$0x3FB4]  }
0x2c: {  	s7 =	sld [smem:$0x3FB5]  }
0x2d: {  	s3 =	simm.s32 $0x108;
	s8 =	sld [smem:$0x3FB6]  }
0x2e: {  	s3 =	simm.s32 @!p0 $0x1082;
	s9 =	sld [smem:$0x3FB7]  }
0x2f: {  	lr =	sadd.s32 s0, s3;
	s0 =	sld [smem:$0x3FAE]  }
0x30: {  	s3 =	sld [smem:$0x3FB1]  }
0x31: {  	[smem:$0x3FBA] =	sst s10  }
0x32: {  	s10 =	sld [smem:$0x3FB8];
	_ =	sdelay $0x3  }
0x33: {  	p0 =	seq.s32 s10, $0x1;
	s10 =	sld [smem:$0x3FBA];
	_ =	sdelay $0x3  }
0x34: {  	[smem:$0x3FBA] =	sst s10  }
0x35: {  	s10 =	sld [smem:$0x3FB9];
	_ =	sdelay $0x3  }
0x36: {  	p1 =	seq.s32 s10, $0x1;
	s10 =	sld [smem:$0x3FBA];
	_ =	sdelay $0x3  }
0x37: {  	[smem:$0x3FBA] =	sst s10  }
0x38: {  	s10 =	sld [smem:$0x3FBB]  }
0x39: {  	_ = 	snop;
	(pc) =	sbr.ind lr, $3  }
0x3a: {  	_ = 	snop  }
0x3b: {  	_ = 	snop  }
0x3c: {  	p2 =	seq.s32 s10, $0x1;
	s10 =	sld [smem:$0x3FBA]  }
0x3d: {  	_ =	shalt  }
0x3e: {  	_ =	shalt  }
0x3f: {  	_ =	shalt  }
0x40: {  	_ =	shalt  }
0x41: {  	_ =	shalt  }
0x42: {  	_ =	shalt  }
0x43: {  	_ =	shalt  }
0x44: {  	_ =	shalt  }
0x45: {  	_ =	shalt  }
0x46: {  	_ =	shalt  }
0x47: {  	_ =	shalt  }
0x48: {  	_ =	shalt  }
0x49: {  	_ =	shalt  }
0x4a: {  	_ =	shalt  }
0x4b: {  	_ =	shalt  }
0x4c: {  	_ =	shalt  }
0x4d: {  	_ =	shalt  }
0x4e: {  	_ =	shalt  }
0x4f: {  	_ =	shalt  }
0x50: {  	_ =	shalt  }
0x51: {  	_ =	shalt  }
0x52: {  	_ =	shalt  }
0x53: {  	_ =	shalt  }
0x54: {  	_ =	shalt  }
0x55: {  	_ =	shalt  }
0x56: {  	_ =	shalt  }
0x57: {  	_ =	shalt  }
0x58: {  	_ =	shalt  }
0x59: {  	_ =	shalt  }
0x5a: {  	_ =	shalt  }
0x5b: {  	_ =	shalt  }
0x5c: {  	_ =	shalt  }
0x5d: {  	_ =	shalt  }
0x5e: {  	_ =	shalt  }
0x5f: {  	_ =	shalt  }
0x60: {  	_ =	shalt  }
0x61: {  	_ =	shalt  }
0x62: {  	_ =	shalt  }
0x63: {  	_ =	shalt  }
0x64: {  	_ =	shalt  }
0x65: {  	_ =	shalt  }
0x66: {  	_ =	shalt  }
0x67: {  	_ =	shalt  }
0x68: {  	_ =	shalt  }
0x69: {  	_ =	shalt  }
0x6a: {  	_ =	shalt  }
0x6b: {  	_ =	shalt  }
0x6c: {  	_ =	shalt  }
0x6d: {  	_ =	shalt  }
0x6e: {  	_ =	shalt  }
0x6f: {  	_ =	shalt  }
0x70: {  	_ =	shalt  }
0x71: {  	_ =	shalt  }
0x72: {  	_ =	shalt  }
0x73: {  	_ =	shalt  }
0x74: {  	_ =	shalt  }
0x75: {  	_ =	shalt  }
0x76: {  	_ =	shalt  }
0x77: {  	_ =	shalt  }
0x78: {  	_ =	shalt  }
0x79: {  	_ =	shalt  }
0x7a: {  	_ =	shalt  }
0x7b: {  	_ =	shalt  }
0x7c: {  	_ =	shalt  }
0x7d: {  	_ =	shalt  }
0x7e: {  	_ =	shalt  }
0x7f: {  	_ =	shalt  }
0x80: {  	_ =	shalt  }
0x81: {  	_ =	shalt  }
0x82: {  	_ =	shalt  }
0x83: {  	_ =	shalt  }
0x84: {  	_ =	shalt  }
0x85: {  	_ =	shalt  }
0x86: {  	_ =	shalt  }
0x87: {  	_ =	shalt  }
.Lfunc_end0:
.L_simem_size_0:
called_computation_lowered:
.L_overlay_start_0:
0x88: {  	s2 =	sld [smem:$0x3FD9]  }
0x89: {  	s3 =	sld [smem:$0x3FFE];
	_ =	sdelay $0x1  }
0x8a: {  	s1 =	srdreg.scid  }
0x8b: {  	s0 =	sand.u32 $0x1, s1  }
0x8c: {  	s18 =	sshll.u32 s0, $0xA;
	s2 =	sadd.s32 s3, s2  }
0x8d: {  	s2 =	sadd.s32 s2, s18  }
0x8e: {  	[smem:$0x3FC6] =	sst s2  }
0x8f: {  	_ = 	snop  }
0x90: {  	s2 =	sld [smem:$0x3FC9]  }
0x91: {  	s19 =	sld [smem:$0x3FC8]  }
0x92: {  	s4 =	sld [smem:$0x3FD0];
	(tm) =	ssettm $0x1  }
0x93: {  	s5 =	sld [smem:$0x3FFB];
	_ =	sdelay $0x3  }
0x94: {  	_ =	strace s5  }
0x95: {  	s5 =	sld [smem:$0x3FFC];
	_ =	sdelay $0x3  }
0x96: {  	_ =	strace s5  }
0x97: {  	s5 =	sld [smem:$0x3FFD];
	_ =	sdelay $0x3  }
0x98: {  	_ =	strace s5  }
0x99: {  	_ =	strace $0x8FFFFFFF  }
0x9a: {  	s20 =	sld [smem:$0x3FDB];
	_ =	sdelay $0x1  }
0x9b: {  	s6 =	simm.s32 $_scs_section_size  }
0x9c: {  	s7 =	simm.s32 $_size__tile_overlayer_lowered;
	s8 =	simm.s32 $_tile_overlayer_lowered  }
0x9d: {  	s23 =	simm.s32 $0x1BFF;
	s22 =	sshll.u32 s8, $0x1;
	s5 =	sadd.s32 s6, s20  }
0x9e: {  	s9 =	simm.s32 $0x0;
	s21 =	sshll.u32 s7, $0x1;
	s7 =	sadd.s32 s22, s5  }
0x9f: {  	[timem:s9], [sflag:s23] =	dma.local [hbm:s7], s21  }
0xa0: {  	_ =	swait.ge [sflag:s23], s21  }
0xa1: {  	s6 =	ssub.s32 $0x0, s21;
	[sflag:s23] =	ssyncset.done $0x0  }
0xa2: {  	[sflag:s23] =	ssyncadd.s32 s6;
	_ =	sdelay $0x1  }
0xa3: {  	s24 =	simm.s32 $0x1B8B  }
0xa4: {  	_ =	swait.ge [sflag:s24], $0x1  }
0xa5: {  	[sflag:s24] =	ssyncset.done $0x0  }
0xa6: {  	s25 =	simm.s32 $0x1B8E;
	[sflag:s24] =	ssyncadd.s32 $0xFFFFFFFF  }
0xa7: {  	s26 =	simm.s32 $execute0_lowered;
	[smem:$0x3FD2] =	sst s25  }
0xa8: {  	s6 =	sshll.u32 s26, $0x1;
	_ =	strace $0x80000046;
	[dreg:$0x1] =	wrdreg $0xFFFFFFFF  }
0xa9: {  	s28 =	simm.s32 $_size_execute0_lowered;
	s5 =	sadd.s32 s5, s6;
	[dreg:$0x0] =	wrdreg $0x0  }
0xaa: {  	s6 =	sshll.u32 s28, $0x1;
	[dreg:$0x2] =	wrdreg s5  }
0xab: {  	[dreg:$0x3] =	wrdreg s6  }
0xac: {  	[dreg:$0x4] =	wrdreg $0xC0  }
0xad: {  	_ =	task [dreg:s9], $0x5FFFF  }
0xae: {  	[dreg:$0x1] =	wrdreg $0xFFFFFFFF  }
0xaf: {  	[dreg:$0x0] =	wrdreg $0x60  }
0xb0: {  	[dreg:$0x2] =	wrdreg s19  }
0xb1: {  	[dreg:$0x3] =	wrdreg s2  }
0xb2: {  	[dreg:$0x4] =	wrdreg s4  }
0xb3: {  	[dreg:$0x5] =	wrdreg $0x9  }
0xb4: {  	_ =	task.clear_ibuf [dreg:s9], $0x6FFFF;
	_ =	strace $0x90000046  }
0xb5: {  	s29 =	simm.s32 $0x9;
	_ =	strace $0x80000048  }
0xb6: {  	_ =	swait.ge [sflag:s29], $0x1  }
0xb7: {  	[sflag:s29] =	ssyncadd.s32 $0xFFFFFFFF  }
0xb8: {  	_ =	strace $0x90000048  }
0xb9: {  	_ =	sfence  }
0xba: {  	s30 =	sld [smem:$0x0];
	_ =	sdelay $0x2  }
0xbb: {  	s31 =	sshll.u32 s1, $0xD;
	s1 =	sshrl.u32 s1, $0x2  }
0xbc: {  	s3 =	sand.u32 $0x4000, s31;
	s1 =	sadd.s32 s1, s30  }
0xbd: {  	s0 =	sor.u32 s3, s0;
	s1 =	sshll.u32 s1, $0x11  }
0xbe: {  	s0 =	sor.u32 s1, s0  }
0xbf: {  	s0 =	sadd.s32 $0x8F2B, s0  }
0xc0: {  	[sflag:s0] =	ssyncadd.remote.s32 $0x1  }
0xc1: {  	_ =	sfence.sel $0xFFFF  }
0xc2: {  	[dreg:$0x0] =	wrdreg $0xFFFFFFFF;
	(pc) =	sbr.abs _section_cstart, $3  }
0xc3: {  	[dreg:$0x1] =	wrdreg $0xFFFFFFFF  }
0xc4: {  	_ =	task.clear_ibuf [dreg:s9], $0x2FFFF;
	_ =	strace $0x9FFFFFFF  }
0xc5: {  	(tm) =	ssettm $0x7FFFFFFF  }
tec
execute0_lowered:
.L_overlay_start_1:
0x0: {  	(tag) =	ssettag $0x1  }
0x1: {  	s2 =	rddreg [dreg:$0x0]  }
0x2: {  	s0 =	rddreg [dreg:$0x1];
	s3 =	srdreg.scid  }
0x3: {  	s1 =	rddreg [dreg:$0x2];
	s4 =	sand.u32 $0x1, s3;
	s3 =	simm.s32 $0x0  }
0x4: {  	s20 =	simm.s32 $0x8880;
	[smem:$0x7FF] =	sst s3  }
0x5: {  	s21 =	simm.s32 $0x9080;
	_ =	strace $0x80000047;
	[dreg:$0xc] =	wrdreg s20  }
0x6: {  	s22 =	simm.s32 $0x9880;
	[dreg:$0xd] =	wrdreg s21  }
0x7: {  	s23 =	simm.s32 $0xA080;
	[dreg:$0xe] =	wrdreg s22  }
0x8: {  	s24 =	simm.s32 $0xA880;
	[dreg:$0xf] =	wrdreg s23  }
0x9: {  	s26 =	simm.s32 $0xB080;
	[dreg:$0x10] =	wrdreg s24  }
0xa: {  	s8 =	simm.s32 $0xD880;
	[dreg:$0x11] =	wrdreg s26  }
0xb: {  	s6 =	stileid.u32;
	s9 =	simm.s32 $0xE080;
	[dreg:$0x15] =	wrdreg s8  }
0xc: {  	s10 =	simm.s32 $0xE880;
	s11 =	simm.s32 $0xF080;
	[dreg:$0x16] =	wrdreg s9  }
0xd: {  	s5 =	sshll.u32 s6, $0x1;
	s6 =	sshll.u32 s6, $0x2;
	[dreg:$0x17] =	wrdreg s10  }
0xe: {  	s12 =	simm.s32 $0xF880;
	s6 =	sand.u32 $0x30, s6;
	[dreg:$0x18] =	wrdreg s11  }
0xf: {  	s0 =	sadd.s32 s0, s6;
	s6 =	simm.s32 $0xC880;
	[dreg:$0x19] =	wrdreg s12  }
0x10: {  	s20 =	simm.s32 $0x14880;
	[dreg:$0x13] =	wrdreg s6  }
0x11: {  	s28 =	simm.s32 $0x3080;
	s21 =	simm.s32 $0x15080;
	[smem:$0x7F7] =	sst s20  }
0x12: {  	s29 =	simm.s32 $0x3880;
	s22 =	simm.s32 $0x15880;
	[smem:$0x7F8] =	sst s21  }
0x13: {  	s5 =	sor.u32 s4, s5;
	s23 =	simm.s32 $0x16080;
	[smem:$0x7F9] =	sst s22  }
0x14: {  	s7 =	sshll.u32 s5, $0x6;
	s24 =	simm.s32 $0x16880;
	[smem:$0x7FA] =	sst s23  }
0x15: {  	s5 =	sshll.u32 s5, $0xE;
	s26 =	simm.s32 $0x17880;
	[smem:$0x7FB] =	sst s24  }
0x16: {  	s31 =	simm.s32 $0x4080;
	s1 =	sadd.s32 s1, s5;
	[smem:$0x7FD] =	sst s26  }
0x17: {  	s7 =	sand.u32 $0x1C0, s7;
	s5 =	simm.s32 $0xB880;
	[smem:$0x7F5] =	sst s1  }
0x18: {  	s30 =	simm.s32 $0x4880;
	s0 =	sadd.s32 s7, s0;
	[dreg:$0x12] =	wrdreg s5  }
0x19: {  	s25 =	ssub.s32 $0x2, s4;
	s13 =	sadd.s32 $0x800, s1;
	[dreg:$0x4] =	wrdreg s0  }
0x1a: {  	s4 =	sshrl.u32 s25, $0x1;
	s14 =	sadd.s32 $0x1000, s1;
	[dreg:$0x5] =	wrdreg s13  }
0x1b: {  	s12 =	simm.s32 $0x1;
	s15 =	sadd.s32 $0x1800, s1;
	[dreg:$0x6] =	wrdreg s14  }
0x1c: {  	s11 =	simm.s32 $0x8;
	s16 =	sadd.s32 $0x2000, s1;
	[dreg:$0x7] =	wrdreg s15  }
0x1d: {  	s10 =	simm.s32 $0x14080;
	s17 =	sadd.s32 $0x2800, s1;
	[dreg:$0x8] =	wrdreg s16  }
0x1e: {  	s6 =	sadd.s32 $0x200, s2;
	s18 =	sadd.s32 $0x3000, s1;
	[dreg:$0x9] =	wrdreg s17  }
0x1f: {  	s22 =	simm.s32 $0x880;
	s19 =	sadd.s32 $0x3800, s1;
	[dreg:$0xa] =	wrdreg s18  }
0x20: {  	s23 =	simm.s32 $0x1080;
	s7 =	simm.s32 $0xD080;
	[dreg:$0xb] =	wrdreg s19  }
0x21: {  	s1 =	ssub.s32 s25, s4;
	s25 =	simm.s32 $0x17080;
	[dreg:$0x14] =	wrdreg s7  }
0x22: {  	s24 =	simm.s32 $0x1880;
	s13 =	simm.s32 $0x10880;
	[smem:$0x7FC] =	sst s25  }
0x23: {  	s26 =	simm.s32 $0x2880;
	s14 =	simm.s32 $0x11080;
	[dreg:$0x1a] =	wrdreg s13  }
0x24: {  	s5 =	sadd.s32 $0x100, s2;
	s15 =	simm.s32 $0x11880;
	[dreg:$0x1b] =	wrdreg s14  }
0x25: {  	s7 =	sadd.s32 $0x300, s2;
	s16 =	simm.s32 $0x12080;
	[dreg:$0x1c] =	wrdreg s15  }
0x26: {  	s8 =	smax.u32 s1, $0x1;
	s17 =	simm.s32 $0x12880;
	[dreg:$0x1d] =	wrdreg s16  }
0x27: {  	s18 =	simm.s32 $0x13080;
	s19 =	simm.s32 $0x13880;
	[dreg:$0x1e] =	wrdreg s17  }
0x28: {  	s0 =	simm.s32 $0x7;
	s1 =	simm.s32 $0x2;
	[dreg:$0x1f] =	wrdreg s18  }
0x29: {  	v2 =	vlaneseq.u32;
	s25 =	simm.s32 $0x2080;
	[smem:$0x7F6] =	sst s19;
	s18 =	simm.s32 $0x80  }
0x2a: {  	vm0 =	vmmov $0xffff;
	v1 =	vshrl.u32 v2, $0x3;
	s13 =	simm.s32 $0x6080;
	s14 =	simm.s32 $0x6880;
	s15 =	simm.s32 $0x7080  }
0x2b: {  	v0 =	vand.u32 $0x7, v2;
	v2 =	vor.u32 $0x8, v2;
	v1 =	vmul.u32 $0x8, v1;
	s16 =	simm.s32 $0x7880;
	s17 =	simm.s32 $0x8080;
	s19 =	simm.s32 $0x10080  }
.LBB2_1:
0x2c: {  	s20 =	rddreg [dreg:$0x4];
	s9 =	simm.s32 $0xD  }
0x2d: {  	[tilespmem:s3], [sflag:$0xD] =	stream.linear.gather [hbm4b:s20+s3], $0x80, $0x38;
	[tilespmem:$0x18080] =	vst v63  }
0x2e: {  	_ =	swait.ge [sflag:s9], $0x80  }
0x2f: {  	[sflag:s9] =	ssyncset.done $0x0  }
0x30: {  	[sflag:s9] =	ssyncadd.s32 $0xFFFFFF80  }
0x31: {  	v3 =	vld [tilespmem:$0x0];
	_ =	sdelay $0x4  }
0x32: {  	v4 =	vshll.u32 v3, $0x3  }
0x33: {  	v3 =	vand.u32 $0x7, v3;
	v4 =	vand.u32 $0xFFFFFFC0, v4  }
0x34: {  	v3 =	vor.u32 v3, v4  }
0x35: {  	v4 =	vperm.xlane v3, v0;
	_ =	sdelay $0x1  }
0x36: {  	v4 =	vadd.s32 v1, v4;
	_ =	sdelay $0x4  }
0x37: {  	[tilespmem:s18], [sflag:$0x1] =	stream.indirect_vreg.gather [hbm4b:s2+s3], $0x80, v4, vm0, $0xb8;
	[tilespmem:$0x18080] =	vst v63  }
0x38: {  	v3 =	vperm.xlane v3, v2  }
0x39: {  	[tilespmem:s22], [sflag:$0x1] =	stream.indirect_vreg.gather [hbm4b:s5+s3], $0x80, v4, vm0, $0xb8;
	[tilespmem:$0x18080] =	vst v63  }
0x3a: {  	v3 =	vadd.s32 v1, v3  }
0x3b: {  	[tilespmem:s23], [sflag:$0x1] =	stream.indirect_vreg.gather [hbm4b:s6+s3], $0x80, v4, vm0, $0xb8;
	[tilespmem:$0x18080] =	vst v63  }
0x3c: {  	_ = 	snop  }
0x3d: {  	[tilespmem:s24], [sflag:$0x1] =	stream.indirect_vreg.gather [hbm4b:s7+s3], $0x80, v4, vm0, $0xb8;
	[tilespmem:$0x18080] =	vst v63  }
0x3e: {  	_ = 	snop  }
0x3f: {  	[tilespmem:s25], [sflag:$0x1] =	stream.indirect_vreg.gather [hbm4b:s2+s3], $0x80, v3, vm0, $0xb8;
	[tilespmem:$0x18080] =	vst v63  }
0x40: {  	_ = 	snop  }
0x41: {  	[tilespmem:s26], [sflag:$0x1] =	stream.indirect_vreg.gather [hbm4b:s5+s3], $0x80, v3, vm0, $0xb8;
	[tilespmem:$0x18080] =	vst v63  }
0x42: {  	_ = 	snop  }
0x43: {  	[tilespmem:s28], [sflag:$0x1] =	stream.indirect_vreg.gather [hbm4b:s6+s3], $0x80, v3, vm0, $0xb8;
	[tilespmem:$0x18080] =	vst v63  }
0x44: {  	_ = 	snop  }
0x45: {  	[tilespmem:s29], [sflag:$0x1] =	stream.indirect_vreg.gather [hbm4b:s7+s3], $0x80, v3, vm0, $0xb8;
	[tilespmem:$0x18080] =	vst v63  }
0x46: {  	v3 =	vld [tilespmem:$0x10];
	_ =	sdelay $0x4  }
0x47: {  	v57 =	vshll.u32 v3, $0x3  }
0x48: {  	v3 =	vand.u32 $0x7, v3;
	v4 =	vand.u32 $0xFFFFFFC0, v57  }
0x49: {  	v3 =	vor.u32 v3, v4  }
0x4a: {  	v4 =	vperm.xlane v3, v0;
	_ =	sdelay $0x1  }
0x4b: {  	v4 =	vadd.s32 v1, v4;
	_ =	sdelay $0x4  }
0x4c: {  	[tilespmem:s31], [sflag:$0x2] =	stream.indirect_vreg.gather [hbm4b:s2+s3], $0x80, v4, vm0, $0xb8;
	[tilespmem:$0x18080] =	vst v63  }
0x4d: {  	v3 =	vperm.xlane v3, v2  }
0x4e: {  	[tilespmem:s30], [sflag:$0x2] =	stream.indirect_vreg.gather [hbm4b:s5+s3], $0x80, v4, vm0, $0xb8;
	[tilespmem:$0x18080] =	vst v63  }
0x4f: {  	s9 =	simm.s32 $0x5080;
	v3 =	vadd.s32 v1, v3  }
0x50: {  	[tilespmem:s9], [sflag:$0x2] =	stream.indirect_vreg.gather [hbm4b:s6+s3], $0x80, v4, vm0, $0xb8;
	[tilespmem:$0x18080] =	vst v63  }
0x51: {  	s4 =	simm.s32 $0x5880  }
0x52: {  	[tilespmem:s4], [sflag:$0x2] =	stream.indirect_vreg.gather [hbm4b:s7+s3], $0x80, v4, vm0, $0xb8;
	[tilespmem:$0x18080] =	vst v63  }
0x53: {  	_ = 	snop  }
0x54: {  	[tilespmem:s13], [sflag:$0x2] =	stream.indirect_vreg.gather [hbm4b:s2+s3], $0x80, v3, vm0, $0xb8;
	[tilespmem:$0x18080] =	vst v63  }
0x55: {  	_ = 	snop  }
0x56: {  	[tilespmem:s14], [sflag:$0x2] =	stream.indirect_vreg.gather [hbm4b:s5+s3], $0x80, v3, vm0, $0xb8;
	[tilespmem:$0x18080] =	vst v63  }
0x57: {  	_ = 	snop  }
0x58: {  	[tilespmem:s15], [sflag:$0x2] =	stream.indirect_vreg.gather [hbm4b:s6+s3], $0x80, v3, vm0, $0xb8;
	[tilespmem:$0x18080] =	vst v63  }
0x59: {  	_ = 	snop  }
0x5a: {  	[tilespmem:s16], [sflag:$0x2] =	stream.indirect_vreg.gather [hbm4b:s7+s3], $0x80, v3, vm0, $0xb8;
	[tilespmem:$0x18080] =	vst v63  }
0x5b: {  	v3 =	vld [tilespmem:$0x20];
	_ =	sdelay $0x4  }
0x5c: {  	v58 =	vshll.u32 v3, $0x3  }
0x5d: {  	v3 =	vand.u32 $0x7, v3;
	v4 =	vand.u32 $0xFFFFFFC0, v58  }
0x5e: {  	v3 =	vor.u32 v3, v4  }
0x5f: {  	v4 =	vperm.xlane v3, v0;
	_ =	sdelay $0x1  }
0x60: {  	v4 =	vadd.s32 v1, v4;
	_ =	sdelay $0x4  }
0x61: {  	[tilespmem:s17], [sflag:$0x3] =	stream.indirect_vreg.gather [hbm4b:s2+s3], $0x80, v4, vm0, $0xb8;
	[tilespmem:$0x18080] =	vst v63  }
0x62: {  	s4 =	rddreg [dreg:$0xc];
	v3 =	vperm.xlane v3, v2  }
0x63: {  	[tilespmem:s4], [sflag:$0x3] =	stream.indirect_vreg.gather [hbm4b:s5+s3], $0x80, v4, vm0, $0xb8;
	[tilespmem:$0x18080] =	vst v63  }
0x64: {  	s21 =	rddreg [dreg:$0xd];
	v3 =	vadd.s32 v1, v3  }
0x65: {  	[tilespmem:s21], [sflag:$0x3] =	stream.indirect_vreg.gather [hbm4b:s6+s3], $0x80, v4, vm0, $0xb8;
	[tilespmem:$0x18080] =	vst v63  }
0x66: {  	s4 =	rddreg [dreg:$0xe]  }
0x67: {  	[tilespmem:s4], [sflag:$0x3] =	stream.indirect_vreg.gather [hbm4b:s7+s3], $0x80, v4, vm0, $0xb8;
	[tilespmem:$0x18080] =	vst v63  }
0x68: {  	s21 =	rddreg [dreg:$0xf]  }
0x69: {  	[tilespmem:s21], [sflag:$0x3] =	stream.indirect_vreg.gather [hbm4b:s2+s3], $0x80, v3, vm0, $0xb8;
	[tilespmem:$0x18080] =	vst v63  }
0x6a: {  	s4 =	rddreg [dreg:$0x10]  }
0x6b: {  	[tilespmem:s4], [sflag:$0x3] =	stream.indirect_vreg.gather [hbm4b:s5+s3], $0x80, v3, vm0, $0xb8;
	[tilespmem:$0x18080] =	vst v63  }
0x6c: {  	s21 =	rddreg [dreg:$0x11]  }
0x6d: {  	[tilespmem:s21], [sflag:$0x3] =	stream.indirect_vreg.gather [hbm4b:s6+s3], $0x80, v3, vm0, $0xb8;
	[tilespmem:$0x18080] =	vst v63  }
0x6e: {  	s4 =	rddreg [dreg:$0x12]  }
0x6f: {  	[tilespmem:s4], [sflag:$0x3] =	stream.indirect_vreg.gather [hbm4b:s7+s3], $0x80, v3, vm0, $0xb8;
	[tilespmem:$0x18080] =	vst v63  }
0x70: {  	v3 =	vld [tilespmem:$0x30];
	_ =	sdelay $0x4  }
0x71: {  	v59 =	vshll.u32 v3, $0x3  }
0x72: {  	v3 =	vand.u32 $0x7, v3;
	v4 =	vand.u32 $0xFFFFFFC0, v59  }
0x73: {  	v3 =	vor.u32 v3, v4  }
0x74: {  	v4 =	vperm.xlane v3, v0;
	_ =	sdelay $0x1  }
0x75: {  	v4 =	vadd.s32 v1, v4;
	_ =	sdelay $0x3  }
0x76: {  	s4 =	simm.s32 $0xC080  }
0x77: {  	[tilespmem:s4], [sflag:$0x4] =	stream.indirect_vreg.gather [hbm4b:s2+s3], $0x80, v4, vm0, $0xb8;
	[tilespmem:$0x18080] =	vst v63  }
0x78: {  	s20 =	rddreg [dreg:$0x13];
	v3 =	vperm.xlane v3, v2  }
0x79: {  	[tilespmem:s20], [sflag:$0x4] =	stream.indirect_vreg.gather [hbm4b:s5+s3], $0x80, v4, vm0, $0xb8;
	[tilespmem:$0x18080] =	vst v63  }
0x7a: {  	s21 =	rddreg [dreg:$0x14];
	v3 =	vadd.s32 v1, v3  }
0x7b: {  	[tilespmem:s21], [sflag:$0x4] =	stream.indirect_vreg.gather [hbm4b:s6+s3], $0x80, v4, vm0, $0xb8;
	[tilespmem:$0x18080] =	vst v63  }
0x7c: {  	s20 =	rddreg [dreg:$0x15]  }
0x7d: {  	[tilespmem:s20], [sflag:$0x4] =	stream.indirect_vreg.gather [hbm4b:s7+s3], $0x80, v4, vm0, $0xb8;
	[tilespmem:$0x18080] =	vst v63  }
0x7e: {  	s21 =	rddreg [dreg:$0x16]  }
0x7f: {  	[tilespmem:s21], [sflag:$0x4] =	stream.indirect_vreg.gather [hbm4b:s2+s3], $0x80, v3, vm0, $0xb8;
	[tilespmem:$0x18080] =	vst v63  }
0x80: {  	s20 =	rddreg [dreg:$0x17]  }
0x81: {  	[tilespmem:s20], [sflag:$0x4] =	stream.indirect_vreg.gather [hbm4b:s5+s3], $0x80, v3, vm0, $0xb8;
	[tilespmem:$0x18080] =	vst v63  }
0x82: {  	s21 =	rddreg [dreg:$0x18]  }
0x83: {  	[tilespmem:s21], [sflag:$0x4] =	stream.indirect_vreg.gather [hbm4b:s6+s3], $0x80, v3, vm0, $0xb8;
	[tilespmem:$0x18080] =	vst v63  }
0x84: {  	s20 =	rddreg [dreg:$0x19]  }
0x85: {  	[tilespmem:s20], [sflag:$0x4] =	stream.indirect_vreg.gather [hbm4b:s7+s3], $0x80, v3, vm0, $0xb8;
	[tilespmem:$0x18080] =	vst v63  }
0x86: {  	v3 =	vld [tilespmem:$0x40];
	_ =	sdelay $0x4  }
0x87: {  	v60 =	vshll.u32 v3, $0x3  }
0x88: {  	v3 =	vand.u32 $0x7, v3;
	v4 =	vand.u32 $0xFFFFFFC0, v60  }
0x89: {  	v3 =	vor.u32 v3, v4  }
0x8a: {  	v4 =	vperm.xlane v3, v0;
	_ =	sdelay $0x1  }
0x8b: {  	v4 =	vadd.s32 v1, v4;
	_ =	sdelay $0x3  }
0x8c: {  	s21 =	rddreg [dreg:$0x1b]  }
0x8d: {  	[tilespmem:s19], [sflag:$0x5] =	stream.indirect_vreg.gather [hbm4b:s2+s3], $0x80, v4, vm0, $0xb8;
	[tilespmem:$0x18080] =	vst v63  }
0x8e: {  	s20 =	rddreg [dreg:$0x1a];
	v3 =	vperm.xlane v3, v2  }
0x8f: {  	[tilespmem:s20], [sflag:$0x5] =	stream.indirect_vreg.gather [hbm4b:s5+s3], $0x80, v4, vm0, $0xb8;
	[tilespmem:$0x18080] =	vst v63  }
0x90: {  	v3 =	vadd.s32 v1, v3;
	s20 =	rddreg [dreg:$0x1c]  }
0x91: {  	[tilespmem:s21], [sflag:$0x5] =	stream.indirect_vreg.gather [hbm4b:s6+s3], $0x80, v4, vm0, $0xb8;
	[tilespmem:$0x18080] =	vst v63  }
0x92: {  	s21 =	rddreg [dreg:$0x1d]  }
0x93: {  	[tilespmem:s20], [sflag:$0x5] =	stream.indirect_vreg.gather [hbm4b:s7+s3], $0x80, v4, vm0, $0xb8;
	[tilespmem:$0x18080] =	vst v63  }
0x94: {  	s20 =	rddreg [dreg:$0x1e]  }
0x95: {  	[tilespmem:s21], [sflag:$0x5] =	stream.indirect_vreg.gather [hbm4b:s2+s3], $0x80, v3, vm0, $0xb8;
	[tilespmem:$0x18080] =	vst v63  }
0x96: {  	s21 =	rddreg [dreg:$0x1f]  }
0x97: {  	[tilespmem:s20], [sflag:$0x5] =	stream.indirect_vreg.gather [hbm4b:s5+s3], $0x80, v3, vm0, $0xb8;
	[tilespmem:$0x18080] =	vst v63  }
0x98: {  	s20 =	sld [smem:$0x7F6]  }
0x99: {  	[tilespmem:s21], [sflag:$0x5] =	stream.indirect_vreg.gather [hbm4b:s6+s3], $0x80, v3, vm0, $0xb8;
	[tilespmem:$0x18080] =	vst v63  }
0x9a: {  	_ = 	snop  }
0x9b: {  	[tilespmem:s20], [sflag:$0x5] =	stream.indirect_vreg.gather [hbm4b:s7+s3], $0x80, v3, vm0, $0xb8;
	[tilespmem:$0x18080] =	vst v63  }
0x9c: {  	v3 =	vld [tilespmem:$0x50];
	_ =	sdelay $0x4  }
0x9d: {  	v61 =	vshll.u32 v3, $0x3  }
0x9e: {  	v3 =	vand.u32 $0x7, v3;
	v4 =	vand.u32 $0xFFFFFFC0, v61  }
0x9f: {  	v3 =	vor.u32 v3, v4  }
0xa0: {  	v4 =	vperm.xlane v3, v0;
	_ =	sdelay $0x1  }
0xa1: {  	v4 =	vadd.s32 v1, v4;
	_ =	sdelay $0x3  }
0xa2: {  	s20 =	sld [smem:$0x7F7]  }
0xa3: {  	[tilespmem:s10], [sflag:$0x6] =	stream.indirect_vreg.gather [hbm4b:s2+s3], $0x80, v4, vm0, $0xb8;
	[tilespmem:$0x18080] =	vst v63  }
0xa4: {  	s21 =	sld [smem:$0x7F8];
	v3 =	vperm.xlane v3, v2  }
0xa5: {  	[tilespmem:s20], [sflag:$0x6] =	stream.indirect_vreg.gather [hbm4b:s5+s3], $0x80, v4, vm0, $0xb8;
	[tilespmem:$0x18080] =	vst v63  }
0xa6: {  	v3 =	vadd.s32 v1, v3;
	s20 =	sld [smem:$0x7F9]  }
0xa7: {  	[tilespmem:s21], [sflag:$0x6] =	stream.indirect_vreg.gather [hbm4b:s6+s3], $0x80, v4, vm0, $0xb8;
	[tilespmem:$0x18080] =	vst v63  }
0xa8: {  	s21 =	sld [smem:$0x7FA]  }
0xa9: {  	[tilespmem:s20], [sflag:$0x6] =	stream.indirect_vreg.gather [hbm4b:s7+s3], $0x80, v4, vm0, $0xb8;
	[tilespmem:$0x18080] =	vst v63  }
0xaa: {  	s20 =	sld [smem:$0x7FB]  }
0xab: {  	[tilespmem:s21], [sflag:$0x6] =	stream.indirect_vreg.gather [hbm4b:s2+s3], $0x80, v3, vm0, $0xb8;
	[tilespmem:$0x18080] =	vst v63  }
0xac: {  	s21 =	sld [smem:$0x7FC]  }
0xad: {  	[tilespmem:s20], [sflag:$0x6] =	stream.indirect_vreg.gather [hbm4b:s5+s3], $0x80, v3, vm0, $0xb8;
	[tilespmem:$0x18080] =	vst v63  }
0xae: {  	s20 =	sld [smem:$0x7FD]  }
0xaf: {  	[tilespmem:s21], [sflag:$0x6] =	stream.indirect_vreg.gather [hbm4b:s6+s3], $0x80, v3, vm0, $0xb8;
	[tilespmem:$0x18080] =	vst v63  }
0xb0: {  	_ = 	snop  }
0xb1: {  	[tilespmem:s20], [sflag:$0x6] =	stream.indirect_vreg.gather [hbm4b:s7+s3], $0x80, v3, vm0, $0xb8;
	[tilespmem:$0x18080] =	vst v63  }
0xb2: {  	_ =	swait.ge [sflag:s12], $0x4000  }
0xb3: {  	s21 =	sld [smem:$0x7F5]  }
0xb4: {  	[sflag:s12] =	ssyncset.done $0x0  }
0xb5: {  	[sflag:s12] =	ssyncadd.s32 $0xFFFFC000  }
0xb6: {  	[hbm4b:s21+s3] =	stream.linear.scatter [tilespmem:s18], [sflag:$0x7], $0x4000, $0x38;
	[tilespmem:$0x18080] =	vst v63  }
0xb7: {  	_ =	swait.ge [sflag:s0], $0x4000  }
0xb8: {  	[sflag:s0] =	ssyncset.done $0x0  }
0xb9: {  	[sflag:s0] =	ssyncadd.s32 $0xFFFFC000  }
0xba: {  	v3 =	vld [tilespmem:$0x60];
	_ =	sdelay $0x4  }
0xbb: {  	v62 =	vshll.u32 v3, $0x3  }
0xbc: {  	v3 =	vand.u32 $0x7, v3;
	v4 =	vand.u32 $0xFFFFFFC0, v62  }
0xbd: {  	v3 =	vor.u32 v3, v4  }
0xbe: {  	v4 =	vperm.xlane v3, v0;
	_ =	sdelay $0x1  }
0xbf: {  	v4 =	vadd.s32 v1, v4;
	_ =	sdelay $0x4  }
0xc0: {  	[tilespmem:s18], [sflag:$0x1] =	stream.indirect_vreg.gather [hbm4b:s2+s3], $0x80, v4, vm0, $0xb8;
	[tilespmem:$0x18080] =	vst v63  }
0xc1: {  	v3 =	vperm.xlane v3, v2  }
0xc2: {  	[tilespmem:s22], [sflag:$0x1] =	stream.indirect_vreg.gather [hbm4b:s5+s3], $0x80, v4, vm0, $0xb8;
	[tilespmem:$0x18080] =	vst v63  }
0xc3: {  	v3 =	vadd.s32 v1, v3  }
0xc4: {  	[tilespmem:s23], [sflag:$0x1] =	stream.indirect_vreg.gather [hbm4b:s6+s3], $0x80, v4, vm0, $0xb8;
	[tilespmem:$0x18080] =	vst v63  }
0xc5: {  	_ = 	snop  }
0xc6: {  	[tilespmem:s24], [sflag:$0x1] =	stream.indirect_vreg.gather [hbm4b:s7+s3], $0x80, v4, vm0, $0xb8;
	[tilespmem:$0x18080] =	vst v63  }
0xc7: {  	_ = 	snop  }
0xc8: {  	[tilespmem:s25], [sflag:$0x1] =	stream.indirect_vreg.gather [hbm4b:s2+s3], $0x80, v3, vm0, $0xb8;
	[tilespmem:$0x18080] =	vst v63  }
0xc9: {  	_ = 	snop  }
0xca: {  	[tilespmem:s26], [sflag:$0x1] =	stream.indirect_vreg.gather [hbm4b:s5+s3], $0x80, v3, vm0, $0xb8;
	[tilespmem:$0x18080] =	vst v63  }
0xcb: {  	_ = 	snop  }
0xcc: {  	[tilespmem:s28], [sflag:$0x1] =	stream.indirect_vreg.gather [hbm4b:s6+s3], $0x80, v3, vm0, $0xb8;
	[tilespmem:$0x18080] =	vst v63  }
0xcd: {  	_ = 	snop  }
0xce: {  	[tilespmem:s29], [sflag:$0x1] =	stream.indirect_vreg.gather [hbm4b:s7+s3], $0x80, v3, vm0, $0xb8;
	[tilespmem:$0x18080] =	vst v63  }
0xcf: {  	_ =	swait.ge [sflag:s1], $0x4000  }
0xd0: {  	[sflag:s1] =	ssyncset.done $0x0  }
0xd1: {  	s21 =	rddreg [dreg:$0x5];
	[sflag:s1] =	ssyncadd.s32 $0xFFFFC000  }
0xd2: {  	[hbm4b:s21+s3] =	stream.linear.scatter [tilespmem:s31], [sflag:$0x8], $0x4000, $0x38;
	[tilespmem:$0x18080] =	vst v63  }
0xd3: {  	_ =	swait.ge [sflag:s11], $0x4000  }
0xd4: {  	[sflag:s11] =	ssyncset.done $0x0  }
0xd5: {  	[sflag:s11] =	ssyncadd.s32 $0xFFFFC000  }
0xd6: {  	v3 =	vld [tilespmem:$0x70];
	_ =	sdelay $0x4  }
0xd7: {  	v63 =	vshll.u32 v3, $0x3  }
0xd8: {  	v3 =	vand.u32 $0x7, v3;
	v4 =	vand.u32 $0xFFFFFFC0, v63  }
0xd9: {  	v3 =	vor.u32 v3, v4  }
0xda: {  	v4 =	vperm.xlane v3, v0;
	_ =	sdelay $0x1  }
0xdb: {  	v4 =	vadd.s32 v1, v4;
	_ =	sdelay $0x4  }
0xdc: {  	[tilespmem:s31], [sflag:$0x2] =	stream.indirect_vreg.gather [hbm4b:s2+s3], $0x80, v4, vm0, $0xb8;
	[tilespmem:$0x18080] =	vst v63  }
0xdd: {  	v3 =	vperm.xlane v3, v2  }
0xde: {  	[tilespmem:s30], [sflag:$0x2] =	stream.indirect_vreg.gather [hbm4b:s5+s3], $0x80, v4, vm0, $0xb8;
	[tilespmem:$0x18080] =	vst v63  }
0xdf: {  	v3 =	vadd.s32 v1, v3  }
0xe0: {  	[tilespmem:s9], [sflag:$0x2] =	stream.indirect_vreg.gather [hbm4b:s6+s3], $0x80, v4, vm0, $0xb8;
	[tilespmem:$0x18080] =	vst v63  }
0xe1: {  	s21 =	simm.s32 $0x5880  }
0xe2: {  	[tilespmem:s21], [sflag:$0x2] =	stream.indirect_vreg.gather [hbm4b:s7+s3], $0x80, v4, vm0, $0xb8;
	[tilespmem:$0x18080] =	vst v63  }
0xe3: {  	_ = 	snop  }
0xe4: {  	[tilespmem:s13], [sflag:$0x2] =	stream.indirect_vreg.gather [hbm4b:s2+s3], $0x80, v3, vm0, $0xb8;
	[tilespmem:$0x18080] =	vst v63  }
0xe5: {  	_ = 	snop  }
0xe6: {  	[tilespmem:s14], [sflag:$0x2] =	stream.indirect_vreg.gather [hbm4b:s5+s3], $0x80, v3, vm0, $0xb8;
	[tilespmem:$0x18080] =	vst v63  }
0xe7: {  	_ = 	snop  }
0xe8: {  	[tilespmem:s15], [sflag:$0x2] =	stream.indirect_vreg.gather [hbm4b:s6+s3], $0x80, v3, vm0, $0xb8;
	[tilespmem:$0x18080] =	vst v63  }
0xe9: {  	s20 =	simm.s32 $0x3  }
0xea: {  	[tilespmem:s16], [sflag:$0x2] =	stream.indirect_vreg.gather [hbm4b:s7+s3], $0x80, v3, vm0, $0xb8;
	[tilespmem:$0x18080] =	vst v63  }
0xeb: {  	_ =	swait.ge [sflag:s20], $0x4000  }
0xec: {  	[sflag:s20] =	ssyncset.done $0x0  }
0xed: {  	s21 =	rddreg [dreg:$0x6];
	[sflag:s20] =	ssyncadd.s32 $0xFFFFC000;
	s20 =	simm.s32 $0x4  }
0xee: {  	[hbm4b:s21+s3] =	stream.linear.scatter [tilespmem:s17], [sflag:$0x9], $0x4000, $0x38;
	[tilespmem:$0x18080] =	vst v63  }
0xef: {  	_ =	swait.ge [sflag:s20], $0x4000  }
0xf0: {  	[sflag:s20] =	ssyncset.done $0x0  }
0xf1: {  	s21 =	rddreg [dreg:$0x7];
	[sflag:s20] =	ssyncadd.s32 $0xFFFFC000  }
0xf2: {  	[hbm4b:s21+s3] =	stream.linear.scatter [tilespmem:s4], [sflag:$0xA], $0x4000, $0x38;
	[tilespmem:$0x18080] =	vst v63  }
0xf3: {  	s21 =	simm.s32 $0x5  }
0xf4: {  	_ =	swait.ge [sflag:s21], $0x4000  }
0xf5: {  	[sflag:s21] =	ssyncset.done $0x0  }
0xf6: {  	s20 =	simm.s32 $0x6;
	s9 =	rddreg [dreg:$0x8];
	[sflag:s21] =	ssyncadd.s32 $0xFFFFC000  }
0xf7: {  	[hbm4b:s9+s3] =	stream.linear.scatter [tilespmem:s19], [sflag:$0xB], $0x4000, $0x38;
	[tilespmem:$0x18080] =	vst v63  }
0xf8: {  	_ =	swait.ge [sflag:s20], $0x4000  }
0xf9: {  	[sflag:s20] =	ssyncset.done $0x0  }
0xfa: {  	s21 =	rddreg [dreg:$0x9];
	[sflag:s20] =	ssyncadd.s32 $0xFFFFC000  }
0xfb: {  	[hbm4b:s21+s3] =	stream.linear.scatter [tilespmem:s10], [sflag:$0xC], $0x4000, $0x38;
	[tilespmem:$0x18080] =	vst v63  }
0xfc: {  	_ =	swait.ge [sflag:s12], $0x4000  }
0xfd: {  	[sflag:s12] =	ssyncset.done $0x0  }
0xfe: {  	s4 =	rddreg [dreg:$0xa];
	[sflag:s12] =	ssyncadd.s32 $0xFFFFC000  }
0xff: {  	[hbm4b:s4+s3] =	stream.linear.scatter [tilespmem:s18], [sflag:$0x7], $0x4000, $0x38;
	[tilespmem:$0x18080] =	vst v63  }
0x100: {  	_ =	swait.ge [sflag:s1], $0x4000  }
0x101: {  	[sflag:s1] =	ssyncset.done $0x0  }
0x102: {  	s21 =	simm.s32 $0x9;
	s9 =	rddreg [dreg:$0xb];
	[sflag:s1] =	ssyncadd.s32 $0xFFFFC000  }
0x103: {  	[hbm4b:s9+s3] =	stream.linear.scatter [tilespmem:s31], [sflag:$0x8], $0x4000, $0x38;
	[tilespmem:$0x18080] =	vst v63  }
0x104: {  	_ =	swait.ge [sflag:s21], $0x4000  }
0x105: {  	[sflag:s21] =	ssyncset.done $0x0  }
0x106: {  	s9 =	simm.s32 $0xA;
	[sflag:s21] =	ssyncadd.s32 $0xFFFFC000  }
0x107: {  	_ =	swait.ge [sflag:s9], $0x4000  }
0x108: {  	[sflag:s9] =	ssyncset.done $0x0  }
0x109: {  	s20 =	simm.s32 $0xB;
	[sflag:s9] =	ssyncadd.s32 $0xFFFFC000  }
0x10a: {  	_ =	swait.ge [sflag:s20], $0x4000  }
0x10b: {  	[sflag:s20] =	ssyncset.done $0x0  }
0x10c: {  	s21 =	simm.s32 $0xC;
	[sflag:s20] =	ssyncadd.s32 $0xFFFFC000  }
0x10d: {  	_ =	swait.ge [sflag:s21], $0x4000  }
0x10e: {  	[sflag:s21] =	ssyncset.done $0x0  }
0x10f: {  	[sflag:s21] =	ssyncadd.s32 $0xFFFFC000  }
0x110: {  	p0 =	sne.s32 s8, $0x1;
	_ =	swait.ge [sflag:s0], $0x4000  }
.Ltmp0:
0x111: {  	[sflag:s0] =	ssyncset.done $0x0;
	(pc) =	sbr.rel @p0 .LBB2_1-.Ltmp0, $4  }
0x112: {  	[sflag:s0] =	ssyncadd.s32 $0xFFFFC000  }
0x113: {  	_ =	swait.ge [sflag:s11], $0x4000  }
0x114: {  	[sflag:s11] =	ssyncset.done $0x0  }
0x115: {  	s8 =	sadd.s32 $0xFFFFFFFF, s8;
	[sflag:s11] =	ssyncadd.s32 $0xFFFFC000  }
0x116: {  	_ =	sfence.sel $0x180000  }
0x117: {  	[bflag:$0x0] =	sbarrier.arrive $0xFFFF  }
0x118: {  	_ =	strace $0x90000047  }
0x119: {  	s0 =	stileid.u32;
	[bflag:$0x2] =	sbarrier.arrive $0xFFFF  }
0x11a: {  	p0 =	sne.s32 s0, $0x0;
	s0 =	rddreg [dreg:$0x3]  }
0x11b: {  	s0 =	sadd.s32 @!p0 $0x100000, s0  }
0x11c: {  	[sflag:s0] =	ssyncadd.tile.s32 @!p0 $0x1;
	_ =	shalt  }
.Lfunc_end2:
_tile_overlayer_lowered:
.L_overlay_start_2:
0x11d: {  	(tag) =	ssettag $0x2  }
0x11e: {  	s0 =	rddreg [dreg:$0x0];
	s2 =	stileid.u32  }
0x11f: {  	s1 =	rddreg [dreg:$0x1];
	p0 =	sne.s32 s2, $0x0  }
0x120: {  	s3 =	rddreg [dreg:$0x2];
	[bflag:$0x3] =	sbarrier.arrive $0xFFFF;
	s2 =	simm.s32 @!p0 $0x1C0D  }
0x121: {  	[timem:s3], [sflag:s2] =	dma.local @!p0 [hbm:s0], s1  }
0x122: {  	s0 =	simm.s32 @!p0 $0xD  }
0x123: {  	_ =	swait.ge @!p0 [sflag:s0], s1  }
0x124: {  	s1 =	ssub.s32 @!p0 $0x0, s1;
	[sflag:s0] =	ssyncset.done @!p0 $0x0  }
0x125: {  	[sflag:s0] =	ssyncadd.s32 @!p0 s1  }
0x126: {  	[bflag:$0x3] =	sbarrier.arrive $0xFFFF  }
0x127: {  	_ =	shalt  }

// kernel: kernel.8.cloned.1.call-start
scs
__scs_entry_jumppad:
0x0: {  	(pc) =	sbr.rel $0x88, $3  }
0x1: {  	(tag) =	ssettag $0x0;
	lr =	simm.s32 $0x1  }
0x2: {  	[smem:$0x3F9F] =	sst lr;
	_ =	strace $0xD0000000  }
0x3: {  	_ = 	snop  }
0x4: {  	_ = 	snop  }
0x5: {  	_ = 	snop  }
0x6: {  	_ = 	snop  }
0x7: {  	_ = 	snop  }
__scs_overlays_trampoline_lowered:
0x8: {  	[smem:$0x3FAE] =	sst s0  }
0x9: {  	[smem:$0x3FAF] =	sst s1  }
0xa: {  	[smem:$0x3FB0] =	sst s2  }
0xb: {  	[smem:$0x3FB1] =	sst s3  }
0xc: {  	[smem:$0x3FB2] =	sst s4  }
0xd: {  	[smem:$0x3FB3] =	sst s5  }
0xe: {  	[smem:$0x3FB4] =	sst s6  }
0xf: {  	[smem:$0x3FB5] =	sst s7  }
0x10: {  	[smem:$0x3FB6] =	sst s8  }
0x11: {  	[smem:$0x3FB7] =	sst s9;
	s0 =	simm.s32 @!p0 $0x0  }
0x12: {  	s1 =	sld [smem:$0x3F9D];
	s0 =	simm.s32 @p0 $0x1  }
0x13: {  	[smem:$0x3FB8] =	sst s0;
	s0 =	simm.s32 @!p1 $0x0  }
0x14: {  	s2 =	sld [smem:$0x3F9C];
	s0 =	simm.s32 @p1 $0x1  }
0x15: {  	[smem:$0x3FB9] =	sst s0;
	s0 =	simm.s32 @!p2 $0x0  }
0x16: {  	s3 =	sld [smem:$0x3FDB];
	s0 =	simm.s32 @p2 $0x1  }
0x17: {  	s4 =	simm.s32 $0x1BF5;
	[smem:$0x3FBB] =	sst s0  }
0x18: {  	s0 =	sld [smem:$0x3F9E];
	_ =	swait.ge [sflag:s4], $0x0  }
0x19: {  	s7 =	sld [smem:$0x3F9F]  }
0x1a: {  	s8 =	sadd.s32 $0xFFFFE003, lr  }
0x1b: {  	s9 =	sadd.s32 $0xFFFFFEF7, lr;
	s5 =	simm.s32 $0xFFFFFFFF;
	p2 =	slt.u32 s8, $0xFFFFF086  }
0x1c: {  	p1 =	slt.u32 s9, $0xF7A;
	s5 =	simm.s32 @!p2 $0x0  }
0x1d: {  	s5 =	simm.s32 @p1 $0x1;
	p0 =	seq.s32 s7, s2  }
0x1e: {  	s7 =	smul.u32 @!p0 $0xF7A, s2;
	p2 =	seq.s32 @!p0 s5, $0x0  }
0x1f: {  	s9 =	smul.u32 $0xF7A, s1;
	s8 =	simm.s32 @!p0 $0x1BF5;
	p2 =	por !p2, p0  }
0x20: {  	[sflag:s8] =	ssyncset.s32 @!p0 $0xFFFFF086;
	s6 =	sadd.s32 @!p0 s3, s7;
	s7 =	simm.s32 @!p0 $0x108  }
0x21: {  	s3 =	sadd.s32 s3, s9;
	s6 =	sadd.s32 @!p0 $0x88, s6;
	s7 =	simm.s32 @p2 $0x1082  }
0x22: {  	[simem:s7], [sflag:s8] =	dma.local @!p0 [hbm:s6], $0xF7A  }
0x23: {  	s9 =	sor.u32 $0xD0000000, s2;
	s6 =	simm.s32 $0x108;
	_ =	swait.ge @!p0 [sflag:s8], $0x0  }
0x24: {  	s3 =	sadd.s32 $0x88, s3;
	s6 =	simm.s32 @!p1 $0x1082;
	[sflag:s4] =	ssyncset.s32 $0xFFFFF086  }
0x25: {  	[simem:s6], [sflag:s4] =	dma.local [hbm:s3], $0xF7A  }
0x26: {  	[smem:$0x3F9F] =	sst s1;
	(tag) =	ssettag s2;
	_ =	strace s9  }
0x27: {  	s1 =	sld [smem:$0x3FAF]  }
0x28: {  	s2 =	sld [smem:$0x3FB0]  }
0x29: {  	s4 =	sld [smem:$0x3FB2]  }
0x2a: {  	p0 =	seq.s32 s5, $0x0;
	s5 =	sld [smem:$0x3FB3]  }
0x2b: {  	s6 =	sld [smem:$0x3FB4]  }
0x2c: {  	s7 =	sld [smem:$0x3FB5]  }
0x2d: {  	s3 =	simm.s32 $0x108;
	s8 =	sld [smem:$0x3FB6]  }
0x2e: {  	s3 =	simm.s32 @!p0 $0x1082;
	s9 =	sld [smem:$0x3FB7]  }
0x2f: {  	lr =	sadd.s32 s0, s3;
	s0 =	sld [smem:$0x3FAE]  }
0x30: {  	s3 =	sld [smem:$0x3FB1]  }
0x31: {  	[smem:$0x3FBA] =	sst s10  }
0x32: {  	s10 =	sld [smem:$0x3FB8];
	_ =	sdelay $0x3  }
0x33: {  	p0 =	seq.s32 s10, $0x1;
	s10 =	sld [smem:$0x3FBA];
	_ =	sdelay $0x3  }
0x34: {  	[smem:$0x3FBA] =	sst s10  }
0x35: {  	s10 =	sld [smem:$0x3FB9];
	_ =	sdelay $0x3  }
0x36: {  	p1 =	seq.s32 s10, $0x1;
	s10 =	sld [smem:$0x3FBA];
	_ =	sdelay $0x3  }
0x37: {  	[smem:$0x3FBA] =	sst s10  }
0x38: {  	s10 =	sld [smem:$0x3FBB]  }
0x39: {  	_ = 	snop;
	(pc) =	sbr.ind lr, $3  }
0x3a: {  	_ = 	snop  }
0x3b: {  	_ = 	snop  }
0x3c: {  	p2 =	seq.s32 s10, $0x1;
	s10 =	sld [smem:$0x3FBA]  }
0x3d: {  	_ =	shalt  }
0x3e: {  	_ =	shalt  }
0x3f: {  	_ =	shalt  }
0x40: {  	_ =	shalt  }
0x41: {  	_ =	shalt  }
0x42: {  	_ =	shalt  }
0x43: {  	_ =	shalt  }
0x44: {  	_ =	shalt  }
0x45: {  	_ =	shalt  }
0x46: {  	_ =	shalt  }
0x47: {  	_ =	shalt  }
0x48: {  	_ =	shalt  }
0x49: {  	_ =	shalt  }
0x4a: {  	_ =	shalt  }
0x4b: {  	_ =	shalt  }
0x4c: {  	_ =	shalt  }
0x4d: {  	_ =	shalt  }
0x4e: {  	_ =	shalt  }
0x4f: {  	_ =	shalt  }
0x50: {  	_ =	shalt  }
0x51: {  	_ =	shalt  }
0x52: {  	_ =	shalt  }
0x53: {  	_ =	shalt  }
0x54: {  	_ =	shalt  }
0x55: {  	_ =	shalt  }
0x56: {  	_ =	shalt  }
0x57: {  	_ =	shalt  }
0x58: {  	_ =	shalt  }
0x59: {  	_ =	shalt  }
0x5a: {  	_ =	shalt  }
0x5b: {  	_ =	shalt  }
0x5c: {  	_ =	shalt  }
0x5d: {  	_ =	shalt  }
0x5e: {  	_ =	shalt  }
0x5f: {  	_ =	shalt  }
0x60: {  	_ =	shalt  }
0x61: {  	_ =	shalt  }
0x62: {  	_ =	shalt  }
0x63: {  	_ =	shalt  }
0x64: {  	_ =	shalt  }
0x65: {  	_ =	shalt  }
0x66: {  	_ =	shalt  }
0x67: {  	_ =	shalt  }
0x68: {  	_ =	shalt  }
0x69: {  	_ =	shalt  }
0x6a: {  	_ =	shalt  }
0x6b: {  	_ =	shalt  }
0x6c: {  	_ =	shalt  }
0x6d: {  	_ =	shalt  }
0x6e: {  	_ =	shalt  }
0x6f: {  	_ =	shalt  }
0x70: {  	_ =	shalt  }
0x71: {  	_ =	shalt  }
0x72: {  	_ =	shalt  }
0x73: {  	_ =	shalt  }
0x74: {  	_ =	shalt  }
0x75: {  	_ =	shalt  }
0x76: {  	_ =	shalt  }
0x77: {  	_ =	shalt  }
0x78: {  	_ =	shalt  }
0x79: {  	_ =	shalt  }
0x7a: {  	_ =	shalt  }
0x7b: {  	_ =	shalt  }
0x7c: {  	_ =	shalt  }
0x7d: {  	_ =	shalt  }
0x7e: {  	_ =	shalt  }
0x7f: {  	_ =	shalt  }
0x80: {  	_ =	shalt  }
0x81: {  	_ =	shalt  }
0x82: {  	_ =	shalt  }
0x83: {  	_ =	shalt  }
0x84: {  	_ =	shalt  }
0x85: {  	_ =	shalt  }
0x86: {  	_ =	shalt  }
0x87: {  	_ =	shalt  }
.Lfunc_end0:
.L_simem_size_0:
called_computation.1_lowered:
.L_overlay_start_0:
0x88: {  	s2 =	sld [smem:$0x3FD9]  }
0x89: {  	s3 =	sld [smem:$0x3FFE];
	_ =	sdelay $0x1  }
0x8a: {  	s1 =	srdreg.scid  }
0x8b: {  	s0 =	sand.u32 $0x1, s1  }
0x8c: {  	s17 =	sshll.u32 s0, $0xA;
	s2 =	sadd.s32 s3, s2  }
0x8d: {  	s2 =	sadd.s32 s2, s17  }
0x8e: {  	[smem:$0x3FC6] =	sst s2  }
0x8f: {  	_ = 	snop  }
0x90: {  	s18 =	sld [smem:$0x3FC8];
	(tm) =	ssettm $0x1  }
0x91: {  	s19 =	sld [smem:$0x3FFB];
	_ =	sdelay $0x3  }
0x92: {  	_ =	strace s19  }
0x93: {  	s2 =	sld [smem:$0x3FFC];
	_ =	sdelay $0x3  }
0x94: {  	_ =	strace s2  }
0x95: {  	s2 =	sld [smem:$0x3FFD];
	_ =	sdelay $0x3  }
0x96: {  	_ =	strace s2  }
0x97: {  	_ =	strace $0x8FFFFFFF  }
0x98: {  	s20 =	sld [smem:$0x3FDB];
	_ =	sdelay $0x1  }
0x99: {  	s4 =	simm.s32 $_scs_section_size  }
0x9a: {  	s5 =	simm.s32 $_size__tile_overlayer_lowered;
	s6 =	simm.s32 $_tile_overlayer_lowered  }
0x9b: {  	s7 =	simm.s32 $0x1BFF;
	s21 =	sshll.u32 s6, $0x1;
	s4 =	sadd.s32 s4, s20  }
0x9c: {  	s22 =	simm.s32 $0x0;
	s5 =	sshll.u32 s5, $0x1;
	s6 =	sadd.s32 s21, s4  }
0x9d: {  	[timem:s22], [sflag:s7] =	dma.local [hbm:s6], s5  }
0x9e: {  	_ =	swait.ge [sflag:s7], s5  }
0x9f: {  	s5 =	ssub.s32 $0x0, s5;
	[sflag:s7] =	ssyncset.done $0x0  }
0xa0: {  	[sflag:s7] =	ssyncadd.s32 s5;
	_ =	sdelay $0x1  }
0xa1: {  	s23 =	simm.s32 $0x1B8B  }
0xa2: {  	_ =	swait.ge [sflag:s23], $0x1  }
0xa3: {  	[sflag:s23] =	ssyncset.done $0x0  }
0xa4: {  	[sflag:s23] =	ssyncadd.s32 $0xFFFFFFFF  }
0xa5: {  	s5 =	sld [smem:$0x0]  }
0xa6: {  	s6 =	sand.u32 $0xFFFFFFFE, s1  }
0xa7: {  	p0 =	sne.s32 s1, s6  }
0xa8: {  	s6 =	sshll.u32 @p0 s6, $0xE  }
0xa9: {  	s6 =	sadd.s32 @p0 $0x11B8D, s6;
	s7 =	sshll.u32 @p0 s5, $0x11  }
0xaa: {  	s6 =	sor.u32 @p0 s7, s6  }
0xab: {  	[sflag:s6] =	ssyncadd.remote.s32 @p0 $0x1;
	_ =	sdelay $0x1  }
0xac: {  	s6 =	simm.s32 @p0 $0x1B8D  }
0xad: {  	_ =	swait.eq @p0 [sflag:s6], $0x1  }
0xae: {  	[sflag:s6] =	ssyncadd.s32 @p0 $0xFFFFFFFF  }
0xaf: {  	s7 =	sshll.u32 @!p0 s1, $0xE  }
0xb0: {  	s7 =	sor.u32 @!p0 $0x4000, s7;
	s6 =	simm.s32 @!p0 $0x1B8D  }
0xb1: {  	s5 =	sshll.u32 @!p0 s5, $0x11;
	s7 =	sadd.s32 @!p0 $0x11B8D, s7;
	_ =	swait.eq @!p0 [sflag:s6], $0x1  }
0xb2: {  	s5 =	sor.u32 @!p0 s5, s7;
	[sflag:s6] =	ssyncadd.s32 @!p0 $0xFFFFFFFF  }
0xb3: {  	s25 =	simm.s32 $0x1B8E;
	s24 =	sld [smem:$0x3FFE];
	[sflag:s5] =	ssyncadd.remote.s32 @!p0 $0x1  }
0xb4: {  	s26 =	simm.s32 $execute0_lowered;
	[smem:$0x3FD2] =	sst s25  }
0xb5: {  	s6 =	sshll.u32 s26, $0x1;
	_ =	strace $0x80000049;
	[dreg:$0x1] =	wrdreg $0xFFFFFFFF  }
0xb6: {  	s28 =	simm.s32 $_size_execute0_lowered;
	s4 =	sadd.s32 s4, s6;
	[dreg:$0x0] =	wrdreg $0x0  }
0xb7: {  	s6 =	sshll.u32 s28, $0x1;
	[dreg:$0x2] =	wrdreg s4  }
0xb8: {  	[dreg:$0x3] =	wrdreg s6  }
0xb9: {  	[dreg:$0x4] =	wrdreg $0xC0  }
0xba: {  	_ =	task [dreg:s22], $0x5FFFF  }
0xbb: {  	[dreg:$0x1] =	wrdreg $0xFFFFFFFF  }
0xbc: {  	[dreg:$0x0] =	wrdreg $0x60  }
0xbd: {  	[dreg:$0x2] =	wrdreg s18  }
0xbe: {  	[dreg:$0x3] =	wrdreg s24  }
0xbf: {  	[dreg:$0x4] =	wrdreg $0xA  }
0xc0: {  	_ =	task.clear_ibuf [dreg:s22], $0x5FFFF;
	_ =	strace $0x90000049  }
0xc1: {  	s29 =	simm.s32 $0xA;
	_ =	strace $0x8000004B  }
0xc2: {  	_ =	swait.ge [sflag:s29], $0x1  }
0xc3: {  	[sflag:s29] =	ssyncadd.s32 $0xFFFFFFFF  }
0xc4: {  	_ =	strace $0x9000004B  }
0xc5: {  	_ =	sfence  }
0xc6: {  	s30 =	sld [smem:$0x0];
	_ =	sdelay $0x2  }
0xc7: {  	s31 =	sshll.u32 s1, $0xD;
	s1 =	sshrl.u32 s1, $0x2  }
0xc8: {  	s4 =	sand.u32 $0x4000, s31;
	s1 =	sadd.s32 s1, s30  }
0xc9: {  	s0 =	sor.u32 s4, s0;
	s1 =	sshll.u32 s1, $0x11  }
0xca: {  	s0 =	sor.u32 s1, s0  }
0xcb: {  	s0 =	sadd.s32 $0x8F2B, s0  }
0xcc: {  	[sflag:s0] =	ssyncadd.remote.s32 $0x1  }
0xcd: {  	_ =	sfence.sel $0xFFFF  }
0xce: {  	[dreg:$0x0] =	wrdreg $0xFFFFFFFF;
	(pc) =	sbr.abs _section_cstart, $3  }
0xcf: {  	[dreg:$0x1] =	wrdreg $0xFFFFFFFF  }
0xd0: {  	_ =	task.clear_ibuf [dreg:s22], $0x2FFFF;
	_ =	strace $0x9FFFFFFF  }
0xd1: {  	(tm) =	ssettm $0x7FFFFFFF  }
tec
execute0_lowered:
.L_overlay_start_1:
0x0: {  	(tag) =	ssettag $0x1  }
0x1: {  	s1 =	srdreg.scid;
	s0 =	stileid.u32  }
0x2: {  	s2 =	rddreg [dreg:$0x0];
	s1 =	sand.u32 $0x1, s1;
	s3 =	sshll.u32 s0, $0x1  }
0x3: {  	s4 =	rddreg [dreg:$0x1];
	s5 =	sor.u32 s1, s3;
	s3 =	simm.s32 $0x0  }
0x4: {  	s11 =	simm.s32 $0xA00;
	[smem:$0x7FF] =	sst s3  }
0x5: {  	s12 =	simm.s32 $0x1200;
	_ =	strace $0x8000004A;
	[dreg:$0x8] =	wrdreg s11  }
0x6: {  	s13 =	simm.s32 $0x1A00;
	s14 =	simm.s32 $0x2200;
	[dreg:$0x9] =	wrdreg s12  }
0x7: {  	s15 =	simm.s32 $0x2A00;
	s16 =	simm.s32 $0x3200;
	[dreg:$0xa] =	wrdreg s13  }
0x8: {  	s17 =	simm.s32 $0x3A00;
	s19 =	simm.s32 $0x4A00;
	[dreg:$0xb] =	wrdreg s14  }
0x9: {  	s20 =	simm.s32 $0x5200;
	s21 =	simm.s32 $0x5A00;
	[dreg:$0xc] =	wrdreg s15  }
0xa: {  	s22 =	simm.s32 $0x7200;
	s23 =	simm.s32 $0x7A00;
	[dreg:$0xd] =	wrdreg s16  }
0xb: {  	s24 =	simm.s32 $0x8A00;
	s25 =	simm.s32 $0x9200;
	[dreg:$0xe] =	wrdreg s17  }
0xc: {  	s26 =	simm.s32 $0x9A00;
	s28 =	simm.s32 $0x4;
	[dreg:$0xf] =	wrdreg s19  }
0xd: {  	s29 =	simm.s32 $0x5;
	s30 =	simm.s32 $0x6;
	[dreg:$0x10] =	wrdreg s20  }
0xe: {  	s31 =	simm.s32 $0x7;
	s1 =	ssub.s32 $0x2, s1;
	[dreg:$0x11] =	wrdreg s21  }
0xf: {  	s6 =	sshll.u32 s5, $0x6;
	s5 =	sshll.u32 s5, $0xD;
	[dreg:$0x14] =	wrdreg s22  }
0x10: {  	s18 =	sshrl.u32 s1, $0x1;
	s6 =	sadd.s32 s6, s4;
	[dreg:$0x15] =	wrdreg s23  }
0x11: {  	s4 =	sadd.s32 s5, s4;
	s1 =	ssub.s32 s1, s18;
	[dreg:$0x16] =	wrdreg s24  }
0x12: {  	s5 =	sadd.s32 $0x200, s2;
	s11 =	simm.s32 $0x8200;
	[dreg:$0x17] =	wrdreg s25  }
0x13: {  	[dreg:$0x18] =	wrdreg s26;
	s13 =	simm.s32 $0xAA00;
	s14 =	simm.s32 $0xB200  }
0x14: {  	s15 =	simm.s32 $0xBA00;
	s16 =	simm.s32 $0xC200;
	s17 =	simm.s32 $0xCA00  }
0x15: {  	s18 =	simm.s32 $0xD200;
	s19 =	simm.s32 $0xDA00;
	s20 =	simm.s32 $0xE200  }
0x16: {  	s21 =	simm.s32 $0xEA00;
	s22 =	simm.s32 $0xF200;
	s7 =	sadd.s32 $0x1E00, s6  }
0x17: {  	s23 =	simm.s32 $0xFA00;
	s8 =	sadd.s32 $0x2600, s4;
	[dreg:$0x3] =	wrdreg s7  }
0x18: {  	s24 =	simm.s32 $0x1;
	s9 =	sadd.s32 $0x2E00, s4;
	[dreg:$0x4] =	wrdreg s8  }
0x19: {  	s25 =	simm.s32 $0x2;
	s10 =	sadd.s32 $0x3600, s4;
	[dreg:$0x5] =	wrdreg s9  }
0x1a: {  	s26 =	simm.s32 $0x3;
	s4 =	sadd.s32 $0x3E00, s4;
	[dreg:$0x6] =	wrdreg s10  }
0x1b: {  	s6 =	sadd.s32 $0x300, s2;
	[dreg:$0x7] =	wrdreg s4;
	s4 =	sadd.s32 $0x100, s2  }
0x1c: {  	v2 =	vlaneseq.u32;
	s7 =	simm.s32 $0x6200;
	s8 =	simm.s32 $0x6A00;
	s9 =	simm.s32 $0x200  }
0x1d: {  	vm0 =	vmmov $0xffff;
	v1 =	vshrl.u32 v2, $0x3;
	s10 =	simm.s32 $0x4200;
	[dreg:$0x12] =	wrdreg s7;
	s7 =	smax.u32 s1, $0x1  }
0x1e: {  	v0 =	vand.u32 $0x7, v2;
	v2 =	vor.u32 $0x8, v2;
	v1 =	vmul.u32 $0x8, v1;
	[dreg:$0x13] =	wrdreg s8;
	s8 =	simm.s32 $0x9;
	s1 =	simm.s32 $0x8  }
.LBB2_1:
0x1f: {  	s0 =	rddreg [dreg:$0x3]  }
0x20: {  	[tilespmem:s3], [sflag:$0x9] =	stream.linear.gather [hbm4b:s0+s3], $0x200, $0x38;
	[tilespmem:$0x10200] =	vst v63  }
0x21: {  	_ =	swait.ge [sflag:s8], $0x200  }
0x22: {  	[sflag:s8] =	ssyncset.done $0x0  }
0x23: {  	[sflag:s8] =	ssyncadd.s32 $0xFFFFFE00  }
0x24: {  	v3 =	vld [tilespmem:$0x0];
	_ =	sdelay $0x4  }
0x25: {  	v4 =	vshll.u32 v3, $0x3  }
0x26: {  	v3 =	vand.u32 $0x7, v3;
	v4 =	vand.u32 $0xFFFFFFC0, v4  }
0x27: {  	v3 =	vor.u32 v3, v4  }
0x28: {  	v4 =	vperm.xlane v3, v0;
	_ =	sdelay $0x1  }
0x29: {  	v4 =	vadd.s32 v1, v4;
	_ =	sdelay $0x4  }
0x2a: {  	[tilespmem:s9], [sflag:$0x1] =	stream.indirect_vreg.gather [hbm4b:s2+s3], $0x80, v4, vm0, $0xb8;
	[tilespmem:$0x10200] =	vst v63  }
0x2b: {  	s0 =	rddreg [dreg:$0x8];
	v3 =	vperm.xlane v3, v2  }
0x2c: {  	[tilespmem:s0], [sflag:$0x1] =	stream.indirect_vreg.gather [hbm4b:s4+s3], $0x80, v4, vm0, $0xb8;
	[tilespmem:$0x10200] =	vst v63  }
0x2d: {  	s12 =	rddreg [dreg:$0x9];
	v3 =	vadd.s32 v1, v3  }
0x2e: {  	[tilespmem:s12], [sflag:$0x1] =	stream.indirect_vreg.gather [hbm4b:s5+s3], $0x80, v4, vm0, $0xb8;
	[tilespmem:$0x10200] =	vst v63  }
0x2f: {  	s0 =	rddreg [dreg:$0xa]  }
0x30: {  	[tilespmem:s0], [sflag:$0x1] =	stream.indirect_vreg.gather [hbm4b:s6+s3], $0x80, v4, vm0, $0xb8;
	[tilespmem:$0x10200] =	vst v63  }
0x31: {  	s12 =	rddreg [dreg:$0xb]  }
0x32: {  	[tilespmem:s12], [sflag:$0x1] =	stream.indirect_vreg.gather [hbm4b:s2+s3], $0x80, v3, vm0, $0xb8;
	[tilespmem:$0x10200] =	vst v63  }
0x33: {  	s0 =	rddreg [dreg:$0xc]  }
0x34: {  	[tilespmem:s0], [sflag:$0x1] =	stream.indirect_vreg.gather [hbm4b:s4+s3], $0x80, v3, vm0, $0xb8;
	[tilespmem:$0x10200] =	vst v63  }
0x35: {  	s12 =	rddreg [dreg:$0xd]  }
0x36: {  	[tilespmem:s12], [sflag:$0x1] =	stream.indirect_vreg.gather [hbm4b:s5+s3], $0x80, v3, vm0, $0xb8;
	[tilespmem:$0x10200] =	vst v63  }
0x37: {  	s0 =	rddreg [dreg:$0xe]  }
0x38: {  	[tilespmem:s0], [sflag:$0x1] =	stream.indirect_vreg.gather [hbm4b:s6+s3], $0x80, v3, vm0, $0xb8;
	[tilespmem:$0x10200] =	vst v63  }
0x39: {  	v3 =	vld [tilespmem:$0x80];
	_ =	sdelay $0x4  }
0x3a: {  	v61 =	vshll.u32 v3, $0x3  }
0x3b: {  	v3 =	vand.u32 $0x7, v3;
	v4 =	vand.u32 $0xFFFFFFC0, v61  }
0x3c: {  	v3 =	vor.u32 v3, v4  }
0x3d: {  	v4 =	vperm.xlane v3, v0;
	_ =	sdelay $0x1  }
0x3e: {  	v4 =	vadd.s32 v1, v4;
	_ =	sdelay $0x4  }
0x3f: {  	[tilespmem:s10], [sflag:$0x2] =	stream.indirect_vreg.gather [hbm4b:s2+s3], $0x80, v4, vm0, $0xb8;
	[tilespmem:$0x10200] =	vst v63  }
0x40: {  	s0 =	rddreg [dreg:$0xf];
	v3 =	vperm.xlane v3, v2  }
0x41: {  	[tilespmem:s0], [sflag:$0x2] =	stream.indirect_vreg.gather [hbm4b:s4+s3], $0x80, v4, vm0, $0xb8;
	[tilespmem:$0x10200] =	vst v63  }
0x42: {  	s12 =	rddreg [dreg:$0x10];
	v3 =	vadd.s32 v1, v3  }
0x43: {  	[tilespmem:s12], [sflag:$0x2] =	stream.indirect_vreg.gather [hbm4b:s5+s3], $0x80, v4, vm0, $0xb8;
	[tilespmem:$0x10200] =	vst v63  }
0x44: {  	s0 =	rddreg [dreg:$0x11]  }
0x45: {  	[tilespmem:s0], [sflag:$0x2] =	stream.indirect_vreg.gather [hbm4b:s6+s3], $0x80, v4, vm0, $0xb8;
	[tilespmem:$0x10200] =	vst v63  }
0x46: {  	s12 =	rddreg [dreg:$0x12]  }
0x47: {  	[tilespmem:s12], [sflag:$0x2] =	stream.indirect_vreg.gather [hbm4b:s2+s3], $0x80, v3, vm0, $0xb8;
	[tilespmem:$0x10200] =	vst v63  }
0x48: {  	s0 =	rddreg [dreg:$0x13]  }
0x49: {  	[tilespmem:s0], [sflag:$0x2] =	stream.indirect_vreg.gather [hbm4b:s4+s3], $0x80, v3, vm0, $0xb8;
	[tilespmem:$0x10200] =	vst v63  }
0x4a: {  	s12 =	rddreg [dreg:$0x14]  }
0x4b: {  	[tilespmem:s12], [sflag:$0x2] =	stream.indirect_vreg.gather [hbm4b:s5+s3], $0x80, v3, vm0, $0xb8;
	[tilespmem:$0x10200] =	vst v63  }
0x4c: {  	s0 =	rddreg [dreg:$0x15]  }
0x4d: {  	[tilespmem:s0], [sflag:$0x2] =	stream.indirect_vreg.gather [hbm4b:s6+s3], $0x80, v3, vm0, $0xb8;
	[tilespmem:$0x10200] =	vst v63  }
0x4e: {  	v3 =	vld [tilespmem:$0x100];
	_ =	sdelay $0x4  }
0x4f: {  	v62 =	vshll.u32 v3, $0x3  }
0x50: {  	v3 =	vand.u32 $0x7, v3;
	v4 =	vand.u32 $0xFFFFFFC0, v62  }
0x51: {  	v3 =	vor.u32 v3, v4  }
0x52: {  	v4 =	vperm.xlane v3, v0;
	_ =	sdelay $0x1  }
0x53: {  	v4 =	vadd.s32 v1, v4;
	_ =	sdelay $0x4  }
0x54: {  	[tilespmem:s11], [sflag:$0x3] =	stream.indirect_vreg.gather [hbm4b:s2+s3], $0x80, v4, vm0, $0xb8;
	[tilespmem:$0x10200] =	vst v63  }
0x55: {  	s0 =	rddreg [dreg:$0x16];
	v3 =	vperm.xlane v3, v2  }
0x56: {  	[tilespmem:s0], [sflag:$0x3] =	stream.indirect_vreg.gather [hbm4b:s4+s3], $0x80, v4, vm0, $0xb8;
	[tilespmem:$0x10200] =	vst v63  }
0x57: {  	s12 =	rddreg [dreg:$0x17];
	v3 =	vadd.s32 v1, v3  }
0x58: {  	[tilespmem:s12], [sflag:$0x3] =	stream.indirect_vreg.gather [hbm4b:s5+s3], $0x80, v4, vm0, $0xb8;
	[tilespmem:$0x10200] =	vst v63  }
0x59: {  	s0 =	rddreg [dreg:$0x18]  }
0x5a: {  	[tilespmem:s0], [sflag:$0x3] =	stream.indirect_vreg.gather [hbm4b:s6+s3], $0x80, v4, vm0, $0xb8;
	[tilespmem:$0x10200] =	vst v63  }
0x5b: {  	s12 =	simm.s32 $0xA200  }
0x5c: {  	[tilespmem:s12], [sflag:$0x3] =	stream.indirect_vreg.gather [hbm4b:s2+s3], $0x80, v3, vm0, $0xb8;
	[tilespmem:$0x10200] =	vst v63  }
0x5d: {  	_ = 	snop  }
0x5e: {  	[tilespmem:s13], [sflag:$0x3] =	stream.indirect_vreg.gather [hbm4b:s4+s3], $0x80, v3, vm0, $0xb8;
	[tilespmem:$0x10200] =	vst v63  }
0x5f: {  	_ = 	snop  }
0x60: {  	[tilespmem:s14], [sflag:$0x3] =	stream.indirect_vreg.gather [hbm4b:s5+s3], $0x80, v3, vm0, $0xb8;
	[tilespmem:$0x10200] =	vst v63  }
0x61: {  	_ = 	snop  }
0x62: {  	[tilespmem:s15], [sflag:$0x3] =	stream.indirect_vreg.gather [hbm4b:s6+s3], $0x80, v3, vm0, $0xb8;
	[tilespmem:$0x10200] =	vst v63  }
0x63: {  	v3 =	vld [tilespmem:$0x180];
	_ =	sdelay $0x4  }
0x64: {  	v63 =	vshll.u32 v3, $0x3  }
0x65: {  	v3 =	vand.u32 $0x7, v3;
	v4 =	vand.u32 $0xFFFFFFC0, v63  }
0x66: {  	v3 =	vor.u32 v3, v4  }
0x67: {  	v4 =	vperm.xlane v3, v0;
	_ =	sdelay $0x1  }
0x68: {  	v4 =	vadd.s32 v1, v4;
	_ =	sdelay $0x4  }
0x69: {  	[tilespmem:s16], [sflag:$0x4] =	stream.indirect_vreg.gather [hbm4b:s2+s3], $0x80, v4, vm0, $0xb8;
	[tilespmem:$0x10200] =	vst v63  }
0x6a: {  	v3 =	vperm.xlane v3, v2  }
0x6b: {  	[tilespmem:s17], [sflag:$0x4] =	stream.indirect_vreg.gather [hbm4b:s4+s3], $0x80, v4, vm0, $0xb8;
	[tilespmem:$0x10200] =	vst v63  }
0x6c: {  	v3 =	vadd.s32 v1, v3  }
0x6d: {  	[tilespmem:s18], [sflag:$0x4] =	stream.indirect_vreg.gather [hbm4b:s5+s3], $0x80, v4, vm0, $0xb8;
	[tilespmem:$0x10200] =	vst v63  }
0x6e: {  	_ = 	snop  }
0x6f: {  	[tilespmem:s19], [sflag:$0x4] =	stream.indirect_vreg.gather [hbm4b:s6+s3], $0x80, v4, vm0, $0xb8;
	[tilespmem:$0x10200] =	vst v63  }
0x70: {  	_ = 	snop  }
0x71: {  	[tilespmem:s20], [sflag:$0x4] =	stream.indirect_vreg.gather [hbm4b:s2+s3], $0x80, v3, vm0, $0xb8;
	[tilespmem:$0x10200] =	vst v63  }
0x72: {  	_ = 	snop  }
0x73: {  	[tilespmem:s21], [sflag:$0x4] =	stream.indirect_vreg.gather [hbm4b:s4+s3], $0x80, v3, vm0, $0xb8;
	[tilespmem:$0x10200] =	vst v63  }
0x74: {  	_ = 	snop  }
0x75: {  	[tilespmem:s22], [sflag:$0x4] =	stream.indirect_vreg.gather [hbm4b:s5+s3], $0x80, v3, vm0, $0xb8;
	[tilespmem:$0x10200] =	vst v63  }
0x76: {  	_ = 	snop  }
0x77: {  	[tilespmem:s23], [sflag:$0x4] =	stream.indirect_vreg.gather [hbm4b:s6+s3], $0x80, v3, vm0, $0xb8;
	[tilespmem:$0x10200] =	vst v63  }
0x78: {  	_ =	swait.ge [sflag:s24], $0x4000  }
0x79: {  	[sflag:s24] =	ssyncset.done $0x0  }
0x7a: {  	s12 =	rddreg [dreg:$0x4];
	[sflag:s24] =	ssyncadd.s32 $0xFFFFC000  }
0x7b: {  	[hbm4b:s12+s3] =	stream.linear.scatter [tilespmem:s9], [sflag:$0x5], $0x4000, $0x38;
	[tilespmem:$0x10200] =	vst v63  }
0x7c: {  	_ =	swait.ge [sflag:s25], $0x4000  }
0x7d: {  	[sflag:s25] =	ssyncset.done $0x0  }
0x7e: {  	s12 =	rddreg [dreg:$0x5];
	[sflag:s25] =	ssyncadd.s32 $0xFFFFC000  }
0x7f: {  	[hbm4b:s12+s3] =	stream.linear.scatter [tilespmem:s10], [sflag:$0x6], $0x4000, $0x38;
	[tilespmem:$0x10200] =	vst v63  }
0x80: {  	_ =	swait.ge [sflag:s26], $0x4000  }
0x81: {  	[sflag:s26] =	ssyncset.done $0x0  }
0x82: {  	s12 =	rddreg [dreg:$0x6];
	[sflag:s26] =	ssyncadd.s32 $0xFFFFC000  }
0x83: {  	[hbm4b:s12+s3] =	stream.linear.scatter [tilespmem:s11], [sflag:$0x7], $0x4000, $0x38;
	[tilespmem:$0x10200] =	vst v63  }
0x84: {  	_ =	swait.ge [sflag:s28], $0x4000  }
0x85: {  	[sflag:s28] =	ssyncset.done $0x0  }
0x86: {  	s12 =	rddreg [dreg:$0x7];
	[sflag:s28] =	ssyncadd.s32 $0xFFFFC000  }
0x87: {  	[hbm4b:s12+s3] =	stream.linear.scatter [tilespmem:s16], [sflag:$0x8], $0x4000, $0x38;
	[tilespmem:$0x10200] =	vst v63  }
0x88: {  	_ =	swait.ge [sflag:s29], $0x4000  }
0x89: {  	[sflag:s29] =	ssyncset.done $0x0  }
0x8a: {  	[sflag:s29] =	ssyncadd.s32 $0xFFFFC000  }
0x8b: {  	_ =	swait.ge [sflag:s30], $0x4000  }
0x8c: {  	[sflag:s30] =	ssyncset.done $0x0  }
0x8d: {  	[sflag:s30] =	ssyncadd.s32 $0xFFFFC000  }
0x8e: {  	p0 =	sne.s32 s7, $0x1;
	_ =	swait.ge [sflag:s31], $0x4000  }
.Ltmp0:
0x8f: {  	[sflag:s31] =	ssyncset.done $0x0;
	(pc) =	sbr.rel @p0 .LBB2_1-.Ltmp0, $4  }
0x90: {  	[sflag:s31] =	ssyncadd.s32 $0xFFFFC000  }
0x91: {  	_ =	swait.ge [sflag:s1], $0x4000  }
0x92: {  	[sflag:s1] =	ssyncset.done $0x0  }
0x93: {  	s7 =	sadd.s32 $0xFFFFFFFF, s7;
	[sflag:s1] =	ssyncadd.s32 $0xFFFFC000  }
0x94: {  	_ =	sfence.sel $0x180000  }
0x95: {  	[bflag:$0x0] =	sbarrier.arrive $0xFFFF  }
0x96: {  	_ =	strace $0x9000004A  }
0x97: {  	s0 =	stileid.u32;
	[bflag:$0x2] =	sbarrier.arrive $0xFFFF  }
0x98: {  	p0 =	sne.s32 s0, $0x0;
	s0 =	rddreg [dreg:$0x2]  }
0x99: {  	s0 =	sadd.s32 @!p0 $0x100000, s0  }
0x9a: {  	[sflag:s0] =	ssyncadd.tile.s32 @!p0 $0x1;
	_ =	shalt  }
.Lfunc_end2:
_tile_overlayer_lowered:
.L_overlay_start_2:
0x9b: {  	(tag) =	ssettag $0x2  }
0x9c: {  	s0 =	rddreg [dreg:$0x0];
	s2 =	stileid.u32  }
0x9d: {  	s1 =	rddreg [dreg:$0x1];
	p0 =	sne.s32 s2, $0x0  }
0x9e: {  	s3 =	rddreg [dreg:$0x2];
	[bflag:$0x3] =	sbarrier.arrive $0xFFFF;
	s2 =	simm.s32 @!p0 $0x1C09  }
0x9f: {  	[timem:s3], [sflag:s2] =	dma.local @!p0 [hbm:s0], s1  }
0xa0: {  	s0 =	simm.s32 @!p0 $0x9  }
0xa1: {  	_ =	swait.ge @!p0 [sflag:s0], s1  }
0xa2: {  	s1 =	ssub.s32 @!p0 $0x0, s1;
	[sflag:s0] =	ssyncset.done @!p0 $0x0  }
0xa3: {  	[sflag:s0] =	ssyncadd.s32 @!p0 s1  }
0xa4: {  	[bflag:$0x3] =	sbarrier.arrive $0xFFFF  }
0xa5: {  	_ =	shalt  }

</sc_bundles>
